<compile_context>
chip_gen: v7x
topology: tpu7x:2x2x1
jax: 0.10.2.dev20260603
libtpu: 0.0.44.dev20260713+nightly
codegen_flags: <defaults>
</compile_context>

<pallas_src>
import functools

import jax
import jax.numpy as jnp
from jax import lax
from jax.experimental import pallas as pl
from jax.experimental.pallas import tpu as pltpu
from jax.experimental.pallas import tpu_sc as plsc

_ND = 32
_NC = 2
_NS = 16
_NW = _NC * _NS
_CH = 128


def _encode(idx2d, table):
    rows = idx2d.shape[0] * idx2d.shape[1]
    rpw = rows // _NW
    nch = rpw // _CH
    ipr = rpw // _CH

    mesh = plsc.VectorSubcoreMesh(core_axis_name="c", subcore_axis_name="s")

    @functools.partial(
        pl.kernel,
        out_type=jax.ShapeDtypeStruct((rows, _ND), jnp.float32),
        mesh=mesh,
        scratch_types=[
            pltpu.VMEM((ipr, _CH), jnp.int32),
            pltpu.VMEM((rpw, _ND), jnp.float32),
            pltpu.VMEM_SHARED((16, _ND), jnp.float32),
            pltpu.SemaphoreType.DMA,
            pltpu.SemaphoreType.DMA,
        ],
        compiler_params=pltpu.CompilerParams(use_tc_tiling_on_sc=False),
    )
    def run(idx_hbm, table_hbm, out_hbm, idx_v, rows_v, tbl_s, gsem, wsem):
        wid = lax.axis_index("s") * _NC + lax.axis_index("c")

        @pl.when(lax.axis_index("s") == 0)
        def _stage_table():
            pltpu.sync_copy(table_hbm, tbl_s)

        pltpu.sync_copy(idx_hbm.at[pl.ds(wid * ipr, ipr)], idx_v)
        plsc.subcore_barrier()
        gathers = [
            pltpu.async_copy(
                tbl_s.at[idx_v.at[j]],
                rows_v.at[pl.ds(j * _CH, _CH)],
                gsem,
            )
            for j in range(nch)
        ]
        writes = []
        for j in range(0, nch, 4):
            for jj in range(j, j + 4):
                gathers[jj].wait()
            writes.append(
                pltpu.async_copy(
                    rows_v.at[pl.ds(j * _CH, 4 * _CH)],
                    out_hbm.at[pl.ds(wid * rpw + j * _CH, 4 * _CH)],
                    wsem,
                )
            )
        for w in writes:
            w.wait()

    return run(idx2d, table)


def kernel(addr_nibbles, nibble_basis):
    b, k = addr_nibbles.shape
    idx2d = addr_nibbles.astype(jnp.int32).reshape(b * k // _CH, _CH)
    out = _encode(idx2d, nibble_basis)
    return out.reshape(b, k * _ND)

# --- scband reference (transcript-rebuilt; emitter-appended) ---
"""Pipeline reference for scband-address-encoder-62380105007322 (READ-ONLY COPY).

The authoritative reference and input builder live on the scoring server;
editing this copy changes nothing except your own understanding.
"""

import jax, jax.numpy as jnp
import numpy as np

DIM = 128
NIBBLE_DIM = DIM // 4  # 32


def _create_nibble_basis():
    basis = np.zeros((16, NIBBLE_DIM), dtype=np.float32)
    seg = NIBBLE_DIM // 4
    for val in range(16):
        for bit in range(4):
            if val & (1 << bit):
                basis[val, bit * seg:(bit + 1) * seg] = 1.0
            else:
                basis[val, bit * seg:(bit + 1) * seg] = -1.0
    return jnp.asarray(basis)


def setup_inputs(seed: int = 0) -> dict:
    key = jax.random.key(seed)
    addr_nibbles = jax.random.randint(key, (16384, 4), 0, 16)
    nibble_basis = _create_nibble_basis()
    return {"addr_nibbles": addr_nibbles, "nibble_basis": nibble_basis}


def reference(addr_nibbles, nibble_basis):
    # encoded[:, i*nd:(i+1)*nd] = nibble_basis[addr_nibbles[:, i]] for i in 0..3
    parts = []
    for i in range(4):
        nibble_vals = addr_nibbles[:, i]
        parts.append(jnp.take(nibble_basis, nibble_vals, axis=0))
    encoded = jnp.concatenate(parts, axis=1)  # [batch, DIM]
    return encoded

if __name__ == "__main__":
    import jax
    _d = setup_inputs()
    print(jax.jit(kernel)(*tuple(_d.values())))

</pallas_src>

<mosaic_0001>
#map = affine_map<(d0, d1) -> (0, 0)>
module attributes {stable_mosaic.version = 14 : i64} {
  func.func @run(%arg0: i32, %arg1: i32, %arg2: memref<512x128xi32, #tpu.memory_space<hbm>>, %arg3: memref<16x32xf32, #tpu.memory_space<hbm>>, %arg4: memref<65536x32xf32, #tpu.memory_space<hbm>>, %arg5: memref<16x128xi32, #tpu.memory_space<vmem>>, %arg6: memref<2048x32xf32, #tpu.memory_space<vmem>>, %arg7: memref<16x32xf32, #tpu.memory_space<vmem_shared>>, %arg8: memref<!tpu.dma_semaphore, #tpu.memory_space<semaphore_mem>>, %arg9: memref<!tpu.dma_semaphore, #tpu.memory_space<semaphore_mem>>) attributes {dimension_semantics = [#tpu.dimension_semantics<core_parallel>, #tpu.dimension_semantics<subcore_parallel>], iteration_bounds = array<i64: 2, 16>, scalar_prefetch = 0 : i64, scratch_operands = 5 : i64, tpu.core_type = #tpu.core_type<sc_vector_subcore>, window_params = [{transform_indices = #map}, {transform_indices = #map}, {transform_indices = #map}]} {
    %mul3A = arith.constant 2 : i32
    %mul3A_0 = arith.muli %arg1, %mul3A : i32
    %add3A = arith.addi %mul3A_0, %arg0 : i32
    %eq3A = arith.constant 0 : i32
    %eq3A_1 = arith.cmpi eq, %arg1, %eq3A : i32
    %convert_element_type3A = arith.extui %eq3A_1 : i1 to i32
    %cond3A = arith.constant 0 : i32
    %cond3A_2 = arith.cmpi ne, %convert_element_type3A, %cond3A : i32
    scf.if %cond3A_2 {
      "tpu.region"() ({
        %run_scoped3A = tpu.sem_alloc : memref<!tpu.dma_semaphore, #tpu.memory_space<semaphore_mem>>
        tpu.enqueue_dma source(%arg3 : memref<16x32xf32, #tpu.memory_space<hbm>>) target(%arg7 : memref<16x32xf32, #tpu.memory_space<vmem_shared>>) target_semaphore(%run_scoped3A : memref<!tpu.dma_semaphore, #tpu.memory_space<semaphore_mem>>)
        tpu.wait_dma2 semaphore(%run_scoped3A : memref<!tpu.dma_semaphore, #tpu.memory_space<semaphore_mem>>) src(%arg3 : memref<16x32xf32, #tpu.memory_space<hbm>>) dst(%arg7 : memref<16x32xf32, #tpu.memory_space<vmem_shared>>)
        tpu.yield
      }) : () -> ()
    } else {
    }
    %mul3A_3 = arith.constant 16 : i32
    %mul3A_4 = arith.muli %add3A, %mul3A_3 : i32
    "tpu.region"() ({
      %run_scoped3A = tpu.sem_alloc : memref<!tpu.dma_semaphore, #tpu.memory_space<semaphore_mem>>
      %dma_start3A_419 = arith.constant 0 : i32
      %dma_start3A_420 = tpu.memref_slice %arg2[%mul3A_4, %dma_start3A_419] : memref<512x128xi32, #tpu.memory_space<hbm>> -> memref<16x128xi32, #tpu.memory_space<hbm>>
      %dma_start3A_421 = arith.constant 0 : i32
      %dma_start3A_422 = tpu.memref_slice %arg2[%mul3A_4, %dma_start3A_421] : memref<512x128xi32, #tpu.memory_space<hbm>> -> memref<16x128xi32, #tpu.memory_space<hbm>>
      tpu.enqueue_dma source(%dma_start3A_422 : memref<16x128xi32, #tpu.memory_space<hbm>>) target(%arg5 : memref<16x128xi32, #tpu.memory_space<vmem>>) target_semaphore(%run_scoped3A : memref<!tpu.dma_semaphore, #tpu.memory_space<semaphore_mem>>)
      %dma_wait3A_423 = arith.constant 0 : i32
      %dma_wait3A_424 = tpu.memref_slice %arg2[%mul3A_4, %dma_wait3A_423] : memref<512x128xi32, #tpu.memory_space<hbm>> -> memref<16x128xi32, #tpu.memory_space<hbm>>
      %dma_wait3A_425 = arith.constant 0 : i32
      %dma_wait3A_426 = tpu.memref_slice %arg2[%mul3A_4, %dma_wait3A_425] : memref<512x128xi32, #tpu.memory_space<hbm>> -> memref<16x128xi32, #tpu.memory_space<hbm>>
      tpu.wait_dma2 semaphore(%run_scoped3A : memref<!tpu.dma_semaphore, #tpu.memory_space<semaphore_mem>>) src(%dma_wait3A_426 : memref<16x128xi32, #tpu.memory_space<hbm>>) dst(%arg5 : memref<16x128xi32, #tpu.memory_space<vmem>>)
      tpu.yield
    }) : () -> ()
    %barrier3A = arith.constant 0 : index
    tpu.barrier barrier_id(%barrier3A)
    %dma_start3A = arith.constant 0 : i32
    %dma_start3A_5 = arith.constant 0 : i32
    %dma_start3A_6 = arith.constant 0 : i32
    %dma_start3A_7 = tpu.memref_slice %arg6[%dma_start3A_5, %dma_start3A_6] : memref<2048x32xf32, #tpu.memory_space<vmem>> -> memref<128x32xf32, #tpu.memory_space<vmem>>
    %dma_start3A_8 = arith.constant 0 : i32
    %dma_start3A_9 = tpu.memref_slice %arg5[%dma_start3A, %dma_start3A_8] : memref<16x128xi32, #tpu.memory_space<vmem>> -> memref<1x128xi32, #tpu.memory_space<vmem>>
    %dma_start3A_10 = tpu.memref_squeeze %dma_start3A_9 : memref<1x128xi32, #tpu.memory_space<vmem>> -> memref<128xi32, #tpu.memory_space<vmem>>
    %dma_start3A_11 = arith.constant 0 : i32
    %dma_start3A_12 = arith.constant 0 : i32
    %dma_start3A_13 = tpu.memref_slice %arg7[%dma_start3A_11, %dma_start3A_12] : memref<16x32xf32, #tpu.memory_space<vmem_shared>> -> memref<16x32xf32, #tpu.memory_space<vmem_shared>>
    tpu.enqueue_indirect_dma source(%dma_start3A_13 : memref<16x32xf32, #tpu.memory_space<vmem_shared>>) target(%dma_start3A_7 : memref<128x32xf32, #tpu.memory_space<vmem>>) offsets(%dma_start3A_10 : memref<128xi32, #tpu.memory_space<vmem>>) semaphore(%arg8 : memref<!tpu.dma_semaphore, #tpu.memory_space<semaphore_mem>>)
    %dma_start3A_14 = arith.constant 1 : i32
    %dma_start3A_15 = arith.constant 128 : i32
    %dma_start3A_16 = arith.constant 0 : i32
    %dma_start3A_17 = tpu.memref_slice %arg6[%dma_start3A_15, %dma_start3A_16] : memref<2048x32xf32, #tpu.memory_space<vmem>> -> memref<128x32xf32, #tpu.memory_space<vmem>>
    %dma_start3A_18 = arith.constant 0 : i32
    %dma_start3A_19 = tpu.memref_slice %arg5[%dma_start3A_14, %dma_start3A_18] : memref<16x128xi32, #tpu.memory_space<vmem>> -> memref<1x128xi32, #tpu.memory_space<vmem>>
    %dma_start3A_20 = tpu.memref_squeeze %dma_start3A_19 : memref<1x128xi32, #tpu.memory_space<vmem>> -> memref<128xi32, #tpu.memory_space<vmem>>
    %dma_start3A_21 = arith.constant 0 : i32
    %dma_start3A_22 = arith.constant 0 : i32
    %dma_start3A_23 = tpu.memref_slice %arg7[%dma_start3A_21, %dma_start3A_22] : memref<16x32xf32, #tpu.memory_space<vmem_shared>> -> memref<16x32xf32, #tpu.memory_space<vmem_shared>>
    tpu.enqueue_indirect_dma source(%dma_start3A_23 : memref<16x32xf32, #tpu.memory_space<vmem_shared>>) target(%dma_start3A_17 : memref<128x32xf32, #tpu.memory_space<vmem>>) offsets(%dma_start3A_20 : memref<128xi32, #tpu.memory_space<vmem>>) semaphore(%arg8 : memref<!tpu.dma_semaphore, #tpu.memory_space<semaphore_mem>>)
    %dma_start3A_24 = arith.constant 2 : i32
    %dma_start3A_25 = arith.constant 256 : i32
    %dma_start3A_26 = arith.constant 0 : i32
    %dma_start3A_27 = tpu.memref_slice %arg6[%dma_start3A_25, %dma_start3A_26] : memref<2048x32xf32, #tpu.memory_space<vmem>> -> memref<128x32xf32, #tpu.memory_space<vmem>>
    %dma_start3A_28 = arith.constant 0 : i32
    %dma_start3A_29 = tpu.memref_slice %arg5[%dma_start3A_24, %dma_start3A_28] : memref<16x128xi32, #tpu.memory_space<vmem>> -> memref<1x128xi32, #tpu.memory_space<vmem>>
    %dma_start3A_30 = tpu.memref_squeeze %dma_start3A_29 : memref<1x128xi32, #tpu.memory_space<vmem>> -> memref<128xi32, #tpu.memory_space<vmem>>
    %dma_start3A_31 = arith.constant 0 : i32
    %dma_start3A_32 = arith.constant 0 : i32
    %dma_start3A_33 = tpu.memref_slice %arg7[%dma_start3A_31, %dma_start3A_32] : memref<16x32xf32, #tpu.memory_space<vmem_shared>> -> memref<16x32xf32, #tpu.memory_space<vmem_shared>>
    tpu.enqueue_indirect_dma source(%dma_start3A_33 : memref<16x32xf32, #tpu.memory_space<vmem_shared>>) target(%dma_start3A_27 : memref<128x32xf32, #tpu.memory_space<vmem>>) offsets(%dma_start3A_30 : memref<128xi32, #tpu.memory_space<vmem>>) semaphore(%arg8 : memref<!tpu.dma_semaphore, #tpu.memory_space<semaphore_mem>>)
    %dma_start3A_34 = arith.constant 3 : i32
    %dma_start3A_35 = arith.constant 384 : i32
    %dma_start3A_36 = arith.constant 0 : i32
    %dma_start3A_37 = tpu.memref_slice %arg6[%dma_start3A_35, %dma_start3A_36] : memref<2048x32xf32, #tpu.memory_space<vmem>> -> memref<128x32xf32, #tpu.memory_space<vmem>>
    %dma_start3A_38 = arith.constant 0 : i32
    %dma_start3A_39 = tpu.memref_slice %arg5[%dma_start3A_34, %dma_start3A_38] : memref<16x128xi32, #tpu.memory_space<vmem>> -> memref<1x128xi32, #tpu.memory_space<vmem>>
    %dma_start3A_40 = tpu.memref_squeeze %dma_start3A_39 : memref<1x128xi32, #tpu.memory_space<vmem>> -> memref<128xi32, #tpu.memory_space<vmem>>
    %dma_start3A_41 = arith.constant 0 : i32
    %dma_start3A_42 = arith.constant 0 : i32
    %dma_start3A_43 = tpu.memref_slice %arg7[%dma_start3A_41, %dma_start3A_42] : memref<16x32xf32, #tpu.memory_space<vmem_shared>> -> memref<16x32xf32, #tpu.memory_space<vmem_shared>>
    tpu.enqueue_indirect_dma source(%dma_start3A_43 : memref<16x32xf32, #tpu.memory_space<vmem_shared>>) target(%dma_start3A_37 : memref<128x32xf32, #tpu.memory_space<vmem>>) offsets(%dma_start3A_40 : memref<128xi32, #tpu.memory_space<vmem>>) semaphore(%arg8 : memref<!tpu.dma_semaphore, #tpu.memory_space<semaphore_mem>>)
    %dma_start3A_44 = arith.constant 4 : i32
    %dma_start3A_45 = arith.constant 512 : i32
    %dma_start3A_46 = arith.constant 0 : i32
    %dma_start3A_47 = tpu.memref_slice %arg6[%dma_start3A_45, %dma_start3A_46] : memref<2048x32xf32, #tpu.memory_space<vmem>> -> memref<128x32xf32, #tpu.memory_space<vmem>>
    %dma_start3A_48 = arith.constant 0 : i32
    %dma_start3A_49 = tpu.memref_slice %arg5[%dma_start3A_44, %dma_start3A_48] : memref<16x128xi32, #tpu.memory_space<vmem>> -> memref<1x128xi32, #tpu.memory_space<vmem>>
    %dma_start3A_50 = tpu.memref_squeeze %dma_start3A_49 : memref<1x128xi32, #tpu.memory_space<vmem>> -> memref<128xi32, #tpu.memory_space<vmem>>
    %dma_start3A_51 = arith.constant 0 : i32
    %dma_start3A_52 = arith.constant 0 : i32
    %dma_start3A_53 = tpu.memref_slice %arg7[%dma_start3A_51, %dma_start3A_52] : memref<16x32xf32, #tpu.memory_space<vmem_shared>> -> memref<16x32xf32, #tpu.memory_space<vmem_shared>>
    tpu.enqueue_indirect_dma source(%dma_start3A_53 : memref<16x32xf32, #tpu.memory_space<vmem_shared>>) target(%dma_start3A_47 : memref<128x32xf32, #tpu.memory_space<vmem>>) offsets(%dma_start3A_50 : memref<128xi32, #tpu.memory_space<vmem>>) semaphore(%arg8 : memref<!tpu.dma_semaphore, #tpu.memory_space<semaphore_mem>>)
    %dma_start3A_54 = arith.constant 5 : i32
    %dma_start3A_55 = arith.constant 640 : i32
    %dma_start3A_56 = arith.constant 0 : i32
    %dma_start3A_57 = tpu.memref_slice %arg6[%dma_start3A_55, %dma_start3A_56] : memref<2048x32xf32, #tpu.memory_space<vmem>> -> memref<128x32xf32, #tpu.memory_space<vmem>>
    %dma_start3A_58 = arith.constant 0 : i32
    %dma_start3A_59 = tpu.memref_slice %arg5[%dma_start3A_54, %dma_start3A_58] : memref<16x128xi32, #tpu.memory_space<vmem>> -> memref<1x128xi32, #tpu.memory_space<vmem>>
    %dma_start3A_60 = tpu.memref_squeeze %dma_start3A_59 : memref<1x128xi32, #tpu.memory_space<vmem>> -> memref<128xi32, #tpu.memory_space<vmem>>
    %dma_start3A_61 = arith.constant 0 : i32
    %dma_start3A_62 = arith.constant 0 : i32
    %dma_start3A_63 = tpu.memref_slice %arg7[%dma_start3A_61, %dma_start3A_62] : memref<16x32xf32, #tpu.memory_space<vmem_shared>> -> memref<16x32xf32, #tpu.memory_space<vmem_shared>>
    tpu.enqueue_indirect_dma source(%dma_start3A_63 : memref<16x32xf32, #tpu.memory_space<vmem_shared>>) target(%dma_start3A_57 : memref<128x32xf32, #tpu.memory_space<vmem>>) offsets(%dma_start3A_60 : memref<128xi32, #tpu.memory_space<vmem>>) semaphore(%arg8 : memref<!tpu.dma_semaphore, #tpu.memory_space<semaphore_mem>>)
    %dma_start3A_64 = arith.constant 6 : i32
    %dma_start3A_65 = arith.constant 768 : i32
    %dma_start3A_66 = arith.constant 0 : i32
    %dma_start3A_67 = tpu.memref_slice %arg6[%dma_start3A_65, %dma_start3A_66] : memref<2048x32xf32, #tpu.memory_space<vmem>> -> memref<128x32xf32, #tpu.memory_space<vmem>>
    %dma_start3A_68 = arith.constant 0 : i32
    %dma_start3A_69 = tpu.memref_slice %arg5[%dma_start3A_64, %dma_start3A_68] : memref<16x128xi32, #tpu.memory_space<vmem>> -> memref<1x128xi32, #tpu.memory_space<vmem>>
    %dma_start3A_70 = tpu.memref_squeeze %dma_start3A_69 : memref<1x128xi32, #tpu.memory_space<vmem>> -> memref<128xi32, #tpu.memory_space<vmem>>
    %dma_start3A_71 = arith.constant 0 : i32
    %dma_start3A_72 = arith.constant 0 : i32
    %dma_start3A_73 = tpu.memref_slice %arg7[%dma_start3A_71, %dma_start3A_72] : memref<16x32xf32, #tpu.memory_space<vmem_shared>> -> memref<16x32xf32, #tpu.memory_space<vmem_shared>>
    tpu.enqueue_indirect_dma source(%dma_start3A_73 : memref<16x32xf32, #tpu.memory_space<vmem_shared>>) target(%dma_start3A_67 : memref<128x32xf32, #tpu.memory_space<vmem>>) offsets(%dma_start3A_70 : memref<128xi32, #tpu.memory_space<vmem>>) semaphore(%arg8 : memref<!tpu.dma_semaphore, #tpu.memory_space<semaphore_mem>>)
    %dma_start3A_74 = arith.constant 7 : i32
    %dma_start3A_75 = arith.constant 896 : i32
    %dma_start3A_76 = arith.constant 0 : i32
    %dma_start3A_77 = tpu.memref_slice %arg6[%dma_start3A_75, %dma_start3A_76] : memref<2048x32xf32, #tpu.memory_space<vmem>> -> memref<128x32xf32, #tpu.memory_space<vmem>>
    %dma_start3A_78 = arith.constant 0 : i32
    %dma_start3A_79 = tpu.memref_slice %arg5[%dma_start3A_74, %dma_start3A_78] : memref<16x128xi32, #tpu.memory_space<vmem>> -> memref<1x128xi32, #tpu.memory_space<vmem>>
    %dma_start3A_80 = tpu.memref_squeeze %dma_start3A_79 : memref<1x128xi32, #tpu.memory_space<vmem>> -> memref<128xi32, #tpu.memory_space<vmem>>
    %dma_start3A_81 = arith.constant 0 : i32
    %dma_start3A_82 = arith.constant 0 : i32
    %dma_start3A_83 = tpu.memref_slice %arg7[%dma_start3A_81, %dma_start3A_82] : memref<16x32xf32, #tpu.memory_space<vmem_shared>> -> memref<16x32xf32, #tpu.memory_space<vmem_shared>>
    tpu.enqueue_indirect_dma source(%dma_start3A_83 : memref<16x32xf32, #tpu.memory_space<vmem_shared>>) target(%dma_start3A_77 : memref<128x32xf32, #tpu.memory_space<vmem>>) offsets(%dma_start3A_80 : memref<128xi32, #tpu.memory_space<vmem>>) semaphore(%arg8 : memref<!tpu.dma_semaphore, #tpu.memory_space<semaphore_mem>>)
    %dma_start3A_84 = arith.constant 8 : i32
    %dma_start3A_85 = arith.constant 1024 : i32
    %dma_start3A_86 = arith.constant 0 : i32
    %dma_start3A_87 = tpu.memref_slice %arg6[%dma_start3A_85, %dma_start3A_86] : memref<2048x32xf32, #tpu.memory_space<vmem>> -> memref<128x32xf32, #tpu.memory_space<vmem>>
    %dma_start3A_88 = arith.constant 0 : i32
    %dma_start3A_89 = tpu.memref_slice %arg5[%dma_start3A_84, %dma_start3A_88] : memref<16x128xi32, #tpu.memory_space<vmem>> -> memref<1x128xi32, #tpu.memory_space<vmem>>
    %dma_start3A_90 = tpu.memref_squeeze %dma_start3A_89 : memref<1x128xi32, #tpu.memory_space<vmem>> -> memref<128xi32, #tpu.memory_space<vmem>>
    %dma_start3A_91 = arith.constant 0 : i32
    %dma_start3A_92 = arith.constant 0 : i32
    %dma_start3A_93 = tpu.memref_slice %arg7[%dma_start3A_91, %dma_start3A_92] : memref<16x32xf32, #tpu.memory_space<vmem_shared>> -> memref<16x32xf32, #tpu.memory_space<vmem_shared>>
    tpu.enqueue_indirect_dma source(%dma_start3A_93 : memref<16x32xf32, #tpu.memory_space<vmem_shared>>) target(%dma_start3A_87 : memref<128x32xf32, #tpu.memory_space<vmem>>) offsets(%dma_start3A_90 : memref<128xi32, #tpu.memory_space<vmem>>) semaphore(%arg8 : memref<!tpu.dma_semaphore, #tpu.memory_space<semaphore_mem>>)
    %dma_start3A_94 = arith.constant 9 : i32
    %dma_start3A_95 = arith.constant 1152 : i32
    %dma_start3A_96 = arith.constant 0 : i32
    %dma_start3A_97 = tpu.memref_slice %arg6[%dma_start3A_95, %dma_start3A_96] : memref<2048x32xf32, #tpu.memory_space<vmem>> -> memref<128x32xf32, #tpu.memory_space<vmem>>
    %dma_start3A_98 = arith.constant 0 : i32
    %dma_start3A_99 = tpu.memref_slice %arg5[%dma_start3A_94, %dma_start3A_98] : memref<16x128xi32, #tpu.memory_space<vmem>> -> memref<1x128xi32, #tpu.memory_space<vmem>>
    %dma_start3A_100 = tpu.memref_squeeze %dma_start3A_99 : memref<1x128xi32, #tpu.memory_space<vmem>> -> memref<128xi32, #tpu.memory_space<vmem>>
    %dma_start3A_101 = arith.constant 0 : i32
    %dma_start3A_102 = arith.constant 0 : i32
    %dma_start3A_103 = tpu.memref_slice %arg7[%dma_start3A_101, %dma_start3A_102] : memref<16x32xf32, #tpu.memory_space<vmem_shared>> -> memref<16x32xf32, #tpu.memory_space<vmem_shared>>
    tpu.enqueue_indirect_dma source(%dma_start3A_103 : memref<16x32xf32, #tpu.memory_space<vmem_shared>>) target(%dma_start3A_97 : memref<128x32xf32, #tpu.memory_space<vmem>>) offsets(%dma_start3A_100 : memref<128xi32, #tpu.memory_space<vmem>>) semaphore(%arg8 : memref<!tpu.dma_semaphore, #tpu.memory_space<semaphore_mem>>)
    %dma_start3A_104 = arith.constant 10 : i32
    %dma_start3A_105 = arith.constant 1280 : i32
    %dma_start3A_106 = arith.constant 0 : i32
    %dma_start3A_107 = tpu.memref_slice %arg6[%dma_start3A_105, %dma_start3A_106] : memref<2048x32xf32, #tpu.memory_space<vmem>> -> memref<128x32xf32, #tpu.memory_space<vmem>>
    %dma_start3A_108 = arith.constant 0 : i32
    %dma_start3A_109 = tpu.memref_slice %arg5[%dma_start3A_104, %dma_start3A_108] : memref<16x128xi32, #tpu.memory_space<vmem>> -> memref<1x128xi32, #tpu.memory_space<vmem>>
    %dma_start3A_110 = tpu.memref_squeeze %dma_start3A_109 : memref<1x128xi32, #tpu.memory_space<vmem>> -> memref<128xi32, #tpu.memory_space<vmem>>
    %dma_start3A_111 = arith.constant 0 : i32
    %dma_start3A_112 = arith.constant 0 : i32
    %dma_start3A_113 = tpu.memref_slice %arg7[%dma_start3A_111, %dma_start3A_112] : memref<16x32xf32, #tpu.memory_space<vmem_shared>> -> memref<16x32xf32, #tpu.memory_space<vmem_shared>>
    tpu.enqueue_indirect_dma source(%dma_start3A_113 : memref<16x32xf32, #tpu.memory_space<vmem_shared>>) target(%dma_start3A_107 : memref<128x32xf32, #tpu.memory_space<vmem>>) offsets(%dma_start3A_110 : memref<128xi32, #tpu.memory_space<vmem>>) semaphore(%arg8 : memref<!tpu.dma_semaphore, #tpu.memory_space<semaphore_mem>>)
    %dma_start3A_114 = arith.constant 11 : i32
    %dma_start3A_115 = arith.constant 1408 : i32
    %dma_start3A_116 = arith.constant 0 : i32
    %dma_start3A_117 = tpu.memref_slice %arg6[%dma_start3A_115, %dma_start3A_116] : memref<2048x32xf32, #tpu.memory_space<vmem>> -> memref<128x32xf32, #tpu.memory_space<vmem>>
    %dma_start3A_118 = arith.constant 0 : i32
    %dma_start3A_119 = tpu.memref_slice %arg5[%dma_start3A_114, %dma_start3A_118] : memref<16x128xi32, #tpu.memory_space<vmem>> -> memref<1x128xi32, #tpu.memory_space<vmem>>
    %dma_start3A_120 = tpu.memref_squeeze %dma_start3A_119 : memref<1x128xi32, #tpu.memory_space<vmem>> -> memref<128xi32, #tpu.memory_space<vmem>>
    %dma_start3A_121 = arith.constant 0 : i32
    %dma_start3A_122 = arith.constant 0 : i32
    %dma_start3A_123 = tpu.memref_slice %arg7[%dma_start3A_121, %dma_start3A_122] : memref<16x32xf32, #tpu.memory_space<vmem_shared>> -> memref<16x32xf32, #tpu.memory_space<vmem_shared>>
    tpu.enqueue_indirect_dma source(%dma_start3A_123 : memref<16x32xf32, #tpu.memory_space<vmem_shared>>) target(%dma_start3A_117 : memref<128x32xf32, #tpu.memory_space<vmem>>) offsets(%dma_start3A_120 : memref<128xi32, #tpu.memory_space<vmem>>) semaphore(%arg8 : memref<!tpu.dma_semaphore, #tpu.memory_space<semaphore_mem>>)
    %dma_start3A_124 = arith.constant 12 : i32
    %dma_start3A_125 = arith.constant 1536 : i32
    %dma_start3A_126 = arith.constant 0 : i32
    %dma_start3A_127 = tpu.memref_slice %arg6[%dma_start3A_125, %dma_start3A_126] : memref<2048x32xf32, #tpu.memory_space<vmem>> -> memref<128x32xf32, #tpu.memory_space<vmem>>
    %dma_start3A_128 = arith.constant 0 : i32
    %dma_start3A_129 = tpu.memref_slice %arg5[%dma_start3A_124, %dma_start3A_128] : memref<16x128xi32, #tpu.memory_space<vmem>> -> memref<1x128xi32, #tpu.memory_space<vmem>>
    %dma_start3A_130 = tpu.memref_squeeze %dma_start3A_129 : memref<1x128xi32, #tpu.memory_space<vmem>> -> memref<128xi32, #tpu.memory_space<vmem>>
    %dma_start3A_131 = arith.constant 0 : i32
    %dma_start3A_132 = arith.constant 0 : i32
    %dma_start3A_133 = tpu.memref_slice %arg7[%dma_start3A_131, %dma_start3A_132] : memref<16x32xf32, #tpu.memory_space<vmem_shared>> -> memref<16x32xf32, #tpu.memory_space<vmem_shared>>
    tpu.enqueue_indirect_dma source(%dma_start3A_133 : memref<16x32xf32, #tpu.memory_space<vmem_shared>>) target(%dma_start3A_127 : memref<128x32xf32, #tpu.memory_space<vmem>>) offsets(%dma_start3A_130 : memref<128xi32, #tpu.memory_space<vmem>>) semaphore(%arg8 : memref<!tpu.dma_semaphore, #tpu.memory_space<semaphore_mem>>)
    %dma_start3A_134 = arith.constant 13 : i32
    %dma_start3A_135 = arith.constant 1664 : i32
    %dma_start3A_136 = arith.constant 0 : i32
    %dma_start3A_137 = tpu.memref_slice %arg6[%dma_start3A_135, %dma_start3A_136] : memref<2048x32xf32, #tpu.memory_space<vmem>> -> memref<128x32xf32, #tpu.memory_space<vmem>>
    %dma_start3A_138 = arith.constant 0 : i32
    %dma_start3A_139 = tpu.memref_slice %arg5[%dma_start3A_134, %dma_start3A_138] : memref<16x128xi32, #tpu.memory_space<vmem>> -> memref<1x128xi32, #tpu.memory_space<vmem>>
    %dma_start3A_140 = tpu.memref_squeeze %dma_start3A_139 : memref<1x128xi32, #tpu.memory_space<vmem>> -> memref<128xi32, #tpu.memory_space<vmem>>
    %dma_start3A_141 = arith.constant 0 : i32
    %dma_start3A_142 = arith.constant 0 : i32
    %dma_start3A_143 = tpu.memref_slice %arg7[%dma_start3A_141, %dma_start3A_142] : memref<16x32xf32, #tpu.memory_space<vmem_shared>> -> memref<16x32xf32, #tpu.memory_space<vmem_shared>>
    tpu.enqueue_indirect_dma source(%dma_start3A_143 : memref<16x32xf32, #tpu.memory_space<vmem_shared>>) target(%dma_start3A_137 : memref<128x32xf32, #tpu.memory_space<vmem>>) offsets(%dma_start3A_140 : memref<128xi32, #tpu.memory_space<vmem>>) semaphore(%arg8 : memref<!tpu.dma_semaphore, #tpu.memory_space<semaphore_mem>>)
    %dma_start3A_144 = arith.constant 14 : i32
    %dma_start3A_145 = arith.constant 1792 : i32
    %dma_start3A_146 = arith.constant 0 : i32
    %dma_start3A_147 = tpu.memref_slice %arg6[%dma_start3A_145, %dma_start3A_146] : memref<2048x32xf32, #tpu.memory_space<vmem>> -> memref<128x32xf32, #tpu.memory_space<vmem>>
    %dma_start3A_148 = arith.constant 0 : i32
    %dma_start3A_149 = tpu.memref_slice %arg5[%dma_start3A_144, %dma_start3A_148] : memref<16x128xi32, #tpu.memory_space<vmem>> -> memref<1x128xi32, #tpu.memory_space<vmem>>
    %dma_start3A_150 = tpu.memref_squeeze %dma_start3A_149 : memref<1x128xi32, #tpu.memory_space<vmem>> -> memref<128xi32, #tpu.memory_space<vmem>>
    %dma_start3A_151 = arith.constant 0 : i32
    %dma_start3A_152 = arith.constant 0 : i32
    %dma_start3A_153 = tpu.memref_slice %arg7[%dma_start3A_151, %dma_start3A_152] : memref<16x32xf32, #tpu.memory_space<vmem_shared>> -> memref<16x32xf32, #tpu.memory_space<vmem_shared>>
    tpu.enqueue_indirect_dma source(%dma_start3A_153 : memref<16x32xf32, #tpu.memory_space<vmem_shared>>) target(%dma_start3A_147 : memref<128x32xf32, #tpu.memory_space<vmem>>) offsets(%dma_start3A_150 : memref<128xi32, #tpu.memory_space<vmem>>) semaphore(%arg8 : memref<!tpu.dma_semaphore, #tpu.memory_space<semaphore_mem>>)
    %dma_start3A_154 = arith.constant 15 : i32
    %dma_start3A_155 = arith.constant 1920 : i32
    %dma_start3A_156 = arith.constant 0 : i32
    %dma_start3A_157 = tpu.memref_slice %arg6[%dma_start3A_155, %dma_start3A_156] : memref<2048x32xf32, #tpu.memory_space<vmem>> -> memref<128x32xf32, #tpu.memory_space<vmem>>
    %dma_start3A_158 = arith.constant 0 : i32
    %dma_start3A_159 = tpu.memref_slice %arg5[%dma_start3A_154, %dma_start3A_158] : memref<16x128xi32, #tpu.memory_space<vmem>> -> memref<1x128xi32, #tpu.memory_space<vmem>>
    %dma_start3A_160 = tpu.memref_squeeze %dma_start3A_159 : memref<1x128xi32, #tpu.memory_space<vmem>> -> memref<128xi32, #tpu.memory_space<vmem>>
    %dma_start3A_161 = arith.constant 0 : i32
    %dma_start3A_162 = arith.constant 0 : i32
    %dma_start3A_163 = tpu.memref_slice %arg7[%dma_start3A_161, %dma_start3A_162] : memref<16x32xf32, #tpu.memory_space<vmem_shared>> -> memref<16x32xf32, #tpu.memory_space<vmem_shared>>
    tpu.enqueue_indirect_dma source(%dma_start3A_163 : memref<16x32xf32, #tpu.memory_space<vmem_shared>>) target(%dma_start3A_157 : memref<128x32xf32, #tpu.memory_space<vmem>>) offsets(%dma_start3A_160 : memref<128xi32, #tpu.memory_space<vmem>>) semaphore(%arg8 : memref<!tpu.dma_semaphore, #tpu.memory_space<semaphore_mem>>)
    %dma_wait3A = arith.constant 0 : i32
    %dma_wait3A_164 = arith.constant 0 : i32
    %dma_wait3A_165 = arith.constant 0 : i32
    %dma_wait3A_166 = tpu.memref_slice %arg6[%dma_wait3A_164, %dma_wait3A_165] : memref<2048x32xf32, #tpu.memory_space<vmem>> -> memref<128x32xf32, #tpu.memory_space<vmem>>
    %dma_wait3A_167 = arith.constant 0 : i32
    %dma_wait3A_168 = tpu.memref_slice %arg5[%dma_wait3A, %dma_wait3A_167] : memref<16x128xi32, #tpu.memory_space<vmem>> -> memref<1x128xi32, #tpu.memory_space<vmem>>
    %dma_wait3A_169 = tpu.memref_squeeze %dma_wait3A_168 : memref<1x128xi32, #tpu.memory_space<vmem>> -> memref<128xi32, #tpu.memory_space<vmem>>
    %dma_wait3A_170 = arith.constant 0 : i32
    %dma_wait3A_171 = arith.constant 0 : i32
    %dma_wait3A_172 = tpu.memref_slice %arg7[%dma_wait3A_170, %dma_wait3A_171] : memref<16x32xf32, #tpu.memory_space<vmem_shared>> -> memref<16x32xf32, #tpu.memory_space<vmem_shared>>
    tpu.wait_indirect_dma semaphore(%arg8 : memref<!tpu.dma_semaphore, #tpu.memory_space<semaphore_mem>>) src(%dma_wait3A_172 : memref<16x32xf32, #tpu.memory_space<vmem_shared>>) dst(%dma_wait3A_166 : memref<128x32xf32, #tpu.memory_space<vmem>>)
    %dma_wait3A_173 = arith.constant 1 : i32
    %dma_wait3A_174 = arith.constant 128 : i32
    %dma_wait3A_175 = arith.constant 0 : i32
    %dma_wait3A_176 = tpu.memref_slice %arg6[%dma_wait3A_174, %dma_wait3A_175] : memref<2048x32xf32, #tpu.memory_space<vmem>> -> memref<128x32xf32, #tpu.memory_space<vmem>>
    %dma_wait3A_177 = arith.constant 0 : i32
    %dma_wait3A_178 = tpu.memref_slice %arg5[%dma_wait3A_173, %dma_wait3A_177] : memref<16x128xi32, #tpu.memory_space<vmem>> -> memref<1x128xi32, #tpu.memory_space<vmem>>
    %dma_wait3A_179 = tpu.memref_squeeze %dma_wait3A_178 : memref<1x128xi32, #tpu.memory_space<vmem>> -> memref<128xi32, #tpu.memory_space<vmem>>
    %dma_wait3A_180 = arith.constant 0 : i32
    %dma_wait3A_181 = arith.constant 0 : i32
    %dma_wait3A_182 = tpu.memref_slice %arg7[%dma_wait3A_180, %dma_wait3A_181] : memref<16x32xf32, #tpu.memory_space<vmem_shared>> -> memref<16x32xf32, #tpu.memory_space<vmem_shared>>
    tpu.wait_indirect_dma semaphore(%arg8 : memref<!tpu.dma_semaphore, #tpu.memory_space<semaphore_mem>>) src(%dma_wait3A_182 : memref<16x32xf32, #tpu.memory_space<vmem_shared>>) dst(%dma_wait3A_176 : memref<128x32xf32, #tpu.memory_space<vmem>>)
    %dma_wait3A_183 = arith.constant 2 : i32
    %dma_wait3A_184 = arith.constant 256 : i32
    %dma_wait3A_185 = arith.constant 0 : i32
    %dma_wait3A_186 = tpu.memref_slice %arg6[%dma_wait3A_184, %dma_wait3A_185] : memref<2048x32xf32, #tpu.memory_space<vmem>> -> memref<128x32xf32, #tpu.memory_space<vmem>>
    %dma_wait3A_187 = arith.constant 0 : i32
    %dma_wait3A_188 = tpu.memref_slice %arg5[%dma_wait3A_183, %dma_wait3A_187] : memref<16x128xi32, #tpu.memory_space<vmem>> -> memref<1x128xi32, #tpu.memory_space<vmem>>
    %dma_wait3A_189 = tpu.memref_squeeze %dma_wait3A_188 : memref<1x128xi32, #tpu.memory_space<vmem>> -> memref<128xi32, #tpu.memory_space<vmem>>
    %dma_wait3A_190 = arith.constant 0 : i32
    %dma_wait3A_191 = arith.constant 0 : i32
    %dma_wait3A_192 = tpu.memref_slice %arg7[%dma_wait3A_190, %dma_wait3A_191] : memref<16x32xf32, #tpu.memory_space<vmem_shared>> -> memref<16x32xf32, #tpu.memory_space<vmem_shared>>
    tpu.wait_indirect_dma semaphore(%arg8 : memref<!tpu.dma_semaphore, #tpu.memory_space<semaphore_mem>>) src(%dma_wait3A_192 : memref<16x32xf32, #tpu.memory_space<vmem_shared>>) dst(%dma_wait3A_186 : memref<128x32xf32, #tpu.memory_space<vmem>>)
    %dma_wait3A_193 = arith.constant 3 : i32
    %dma_wait3A_194 = arith.constant 384 : i32
    %dma_wait3A_195 = arith.constant 0 : i32
    %dma_wait3A_196 = tpu.memref_slice %arg6[%dma_wait3A_194, %dma_wait3A_195] : memref<2048x32xf32, #tpu.memory_space<vmem>> -> memref<128x32xf32, #tpu.memory_space<vmem>>
    %dma_wait3A_197 = arith.constant 0 : i32
    %dma_wait3A_198 = tpu.memref_slice %arg5[%dma_wait3A_193, %dma_wait3A_197] : memref<16x128xi32, #tpu.memory_space<vmem>> -> memref<1x128xi32, #tpu.memory_space<vmem>>
    %dma_wait3A_199 = tpu.memref_squeeze %dma_wait3A_198 : memref<1x128xi32, #tpu.memory_space<vmem>> -> memref<128xi32, #tpu.memory_space<vmem>>
    %dma_wait3A_200 = arith.constant 0 : i32
    %dma_wait3A_201 = arith.constant 0 : i32
    %dma_wait3A_202 = tpu.memref_slice %arg7[%dma_wait3A_200, %dma_wait3A_201] : memref<16x32xf32, #tpu.memory_space<vmem_shared>> -> memref<16x32xf32, #tpu.memory_space<vmem_shared>>
    tpu.wait_indirect_dma semaphore(%arg8 : memref<!tpu.dma_semaphore, #tpu.memory_space<semaphore_mem>>) src(%dma_wait3A_202 : memref<16x32xf32, #tpu.memory_space<vmem_shared>>) dst(%dma_wait3A_196 : memref<128x32xf32, #tpu.memory_space<vmem>>)
    %mul3A_203 = arith.constant 2048 : i32
    %mul3A_204 = arith.muli %add3A, %mul3A_203 : i32
    %add3A_205 = arith.constant 0 : i32
    %add3A_206 = arith.addi %mul3A_204, %add3A_205 : i32
    %dma_start3A_207 = arith.constant 0 : i32
    %dma_start3A_208 = arith.constant 0 : i32
    %dma_start3A_209 = tpu.memref_slice %arg6[%dma_start3A_207, %dma_start3A_208] : memref<2048x32xf32, #tpu.memory_space<vmem>> -> memref<512x32xf32, #tpu.memory_space<vmem>>
    %dma_start3A_210 = arith.constant 0 : i32
    %dma_start3A_211 = tpu.memref_slice %arg4[%add3A_206, %dma_start3A_210] : memref<65536x32xf32, #tpu.memory_space<hbm>> -> memref<512x32xf32, #tpu.memory_space<hbm>>
    %dma_start3A_212 = arith.constant 0 : i32
    %dma_start3A_213 = tpu.memref_slice %arg4[%add3A_206, %dma_start3A_212] : memref<65536x32xf32, #tpu.memory_space<hbm>> -> memref<512x32xf32, #tpu.memory_space<hbm>>
    %dma_start3A_214 = arith.constant 0 : i32
    %dma_start3A_215 = arith.constant 0 : i32
    %dma_start3A_216 = tpu.memref_slice %arg6[%dma_start3A_214, %dma_start3A_215] : memref<2048x32xf32, #tpu.memory_space<vmem>> -> memref<512x32xf32, #tpu.memory_space<vmem>>
    tpu.enqueue_dma source(%dma_start3A_216 : memref<512x32xf32, #tpu.memory_space<vmem>>) target(%dma_start3A_213 : memref<512x32xf32, #tpu.memory_space<hbm>>) target_semaphore(%arg9 : memref<!tpu.dma_semaphore, #tpu.memory_space<semaphore_mem>>)
    %dma_wait3A_217 = arith.constant 4 : i32
    %dma_wait3A_218 = arith.constant 512 : i32
    %dma_wait3A_219 = arith.constant 0 : i32
    %dma_wait3A_220 = tpu.memref_slice %arg6[%dma_wait3A_218, %dma_wait3A_219] : memref<2048x32xf32, #tpu.memory_space<vmem>> -> memref<128x32xf32, #tpu.memory_space<vmem>>
    %dma_wait3A_221 = arith.constant 0 : i32
    %dma_wait3A_222 = tpu.memref_slice %arg5[%dma_wait3A_217, %dma_wait3A_221] : memref<16x128xi32, #tpu.memory_space<vmem>> -> memref<1x128xi32, #tpu.memory_space<vmem>>
    %dma_wait3A_223 = tpu.memref_squeeze %dma_wait3A_222 : memref<1x128xi32, #tpu.memory_space<vmem>> -> memref<128xi32, #tpu.memory_space<vmem>>
    %dma_wait3A_224 = arith.constant 0 : i32
    %dma_wait3A_225 = arith.constant 0 : i32
    %dma_wait3A_226 = tpu.memref_slice %arg7[%dma_wait3A_224, %dma_wait3A_225] : memref<16x32xf32, #tpu.memory_space<vmem_shared>> -> memref<16x32xf32, #tpu.memory_space<vmem_shared>>
    tpu.wait_indirect_dma semaphore(%arg8 : memref<!tpu.dma_semaphore, #tpu.memory_space<semaphore_mem>>) src(%dma_wait3A_226 : memref<16x32xf32, #tpu.memory_space<vmem_shared>>) dst(%dma_wait3A_220 : memref<128x32xf32, #tpu.memory_space<vmem>>)
    %dma_wait3A_227 = arith.constant 5 : i32
    %dma_wait3A_228 = arith.constant 640 : i32
    %dma_wait3A_229 = arith.constant 0 : i32
    %dma_wait3A_230 = tpu.memref_slice %arg6[%dma_wait3A_228, %dma_wait3A_229] : memref<2048x32xf32, #tpu.memory_space<vmem>> -> memref<128x32xf32, #tpu.memory_space<vmem>>
    %dma_wait3A_231 = arith.constant 0 : i32
    %dma_wait3A_232 = tpu.memref_slice %arg5[%dma_wait3A_227, %dma_wait3A_231] : memref<16x128xi32, #tpu.memory_space<vmem>> -> memref<1x128xi32, #tpu.memory_space<vmem>>
    %dma_wait3A_233 = tpu.memref_squeeze %dma_wait3A_232 : memref<1x128xi32, #tpu.memory_space<vmem>> -> memref<128xi32, #tpu.memory_space<vmem>>
    %dma_wait3A_234 = arith.constant 0 : i32
    %dma_wait3A_235 = arith.constant 0 : i32
    %dma_wait3A_236 = tpu.memref_slice %arg7[%dma_wait3A_234, %dma_wait3A_235] : memref<16x32xf32, #tpu.memory_space<vmem_shared>> -> memref<16x32xf32, #tpu.memory_space<vmem_shared>>
    tpu.wait_indirect_dma semaphore(%arg8 : memref<!tpu.dma_semaphore, #tpu.memory_space<semaphore_mem>>) src(%dma_wait3A_236 : memref<16x32xf32, #tpu.memory_space<vmem_shared>>) dst(%dma_wait3A_230 : memref<128x32xf32, #tpu.memory_space<vmem>>)
    %dma_wait3A_237 = arith.constant 6 : i32
    %dma_wait3A_238 = arith.constant 768 : i32
    %dma_wait3A_239 = arith.constant 0 : i32
    %dma_wait3A_240 = tpu.memref_slice %arg6[%dma_wait3A_238, %dma_wait3A_239] : memref<2048x32xf32, #tpu.memory_space<vmem>> -> memref<128x32xf32, #tpu.memory_space<vmem>>
    %dma_wait3A_241 = arith.constant 0 : i32
    %dma_wait3A_242 = tpu.memref_slice %arg5[%dma_wait3A_237, %dma_wait3A_241] : memref<16x128xi32, #tpu.memory_space<vmem>> -> memref<1x128xi32, #tpu.memory_space<vmem>>
    %dma_wait3A_243 = tpu.memref_squeeze %dma_wait3A_242 : memref<1x128xi32, #tpu.memory_space<vmem>> -> memref<128xi32, #tpu.memory_space<vmem>>
    %dma_wait3A_244 = arith.constant 0 : i32
    %dma_wait3A_245 = arith.constant 0 : i32
    %dma_wait3A_246 = tpu.memref_slice %arg7[%dma_wait3A_244, %dma_wait3A_245] : memref<16x32xf32, #tpu.memory_space<vmem_shared>> -> memref<16x32xf32, #tpu.memory_space<vmem_shared>>
    tpu.wait_indirect_dma semaphore(%arg8 : memref<!tpu.dma_semaphore, #tpu.memory_space<semaphore_mem>>) src(%dma_wait3A_246 : memref<16x32xf32, #tpu.memory_space<vmem_shared>>) dst(%dma_wait3A_240 : memref<128x32xf32, #tpu.memory_space<vmem>>)
    %dma_wait3A_247 = arith.constant 7 : i32
    %dma_wait3A_248 = arith.constant 896 : i32
    %dma_wait3A_249 = arith.constant 0 : i32
    %dma_wait3A_250 = tpu.memref_slice %arg6[%dma_wait3A_248, %dma_wait3A_249] : memref<2048x32xf32, #tpu.memory_space<vmem>> -> memref<128x32xf32, #tpu.memory_space<vmem>>
    %dma_wait3A_251 = arith.constant 0 : i32
    %dma_wait3A_252 = tpu.memref_slice %arg5[%dma_wait3A_247, %dma_wait3A_251] : memref<16x128xi32, #tpu.memory_space<vmem>> -> memref<1x128xi32, #tpu.memory_space<vmem>>
    %dma_wait3A_253 = tpu.memref_squeeze %dma_wait3A_252 : memref<1x128xi32, #tpu.memory_space<vmem>> -> memref<128xi32, #tpu.memory_space<vmem>>
    %dma_wait3A_254 = arith.constant 0 : i32
    %dma_wait3A_255 = arith.constant 0 : i32
    %dma_wait3A_256 = tpu.memref_slice %arg7[%dma_wait3A_254, %dma_wait3A_255] : memref<16x32xf32, #tpu.memory_space<vmem_shared>> -> memref<16x32xf32, #tpu.memory_space<vmem_shared>>
    tpu.wait_indirect_dma semaphore(%arg8 : memref<!tpu.dma_semaphore, #tpu.memory_space<semaphore_mem>>) src(%dma_wait3A_256 : memref<16x32xf32, #tpu.memory_space<vmem_shared>>) dst(%dma_wait3A_250 : memref<128x32xf32, #tpu.memory_space<vmem>>)
    %mul3A_257 = arith.constant 2048 : i32
    %mul3A_258 = arith.muli %add3A, %mul3A_257 : i32
    %add3A_259 = arith.constant 512 : i32
    %add3A_260 = arith.addi %mul3A_258, %add3A_259 : i32
    %dma_start3A_261 = arith.constant 512 : i32
    %dma_start3A_262 = arith.constant 0 : i32
    %dma_start3A_263 = tpu.memref_slice %arg6[%dma_start3A_261, %dma_start3A_262] : memref<2048x32xf32, #tpu.memory_space<vmem>> -> memref<512x32xf32, #tpu.memory_space<vmem>>
    %dma_start3A_264 = arith.constant 0 : i32
    %dma_start3A_265 = tpu.memref_slice %arg4[%add3A_260, %dma_start3A_264] : memref<65536x32xf32, #tpu.memory_space<hbm>> -> memref<512x32xf32, #tpu.memory_space<hbm>>
    %dma_start3A_266 = arith.constant 0 : i32
    %dma_start3A_267 = tpu.memref_slice %arg4[%add3A_260, %dma_start3A_266] : memref<65536x32xf32, #tpu.memory_space<hbm>> -> memref<512x32xf32, #tpu.memory_space<hbm>>
    %dma_start3A_268 = arith.constant 512 : i32
    %dma_start3A_269 = arith.constant 0 : i32
    %dma_start3A_270 = tpu.memref_slice %arg6[%dma_start3A_268, %dma_start3A_269] : memref<2048x32xf32, #tpu.memory_space<vmem>> -> memref<512x32xf32, #tpu.memory_space<vmem>>
    tpu.enqueue_dma source(%dma_start3A_270 : memref<512x32xf32, #tpu.memory_space<vmem>>) target(%dma_start3A_267 : memref<512x32xf32, #tpu.memory_space<hbm>>) target_semaphore(%arg9 : memref<!tpu.dma_semaphore, #tpu.memory_space<semaphore_mem>>)
    %dma_wait3A_271 = arith.constant 8 : i32
    %dma_wait3A_272 = arith.constant 1024 : i32
    %dma_wait3A_273 = arith.constant 0 : i32
    %dma_wait3A_274 = tpu.memref_slice %arg6[%dma_wait3A_272, %dma_wait3A_273] : memref<2048x32xf32, #tpu.memory_space<vmem>> -> memref<128x32xf32, #tpu.memory_space<vmem>>
    %dma_wait3A_275 = arith.constant 0 : i32
    %dma_wait3A_276 = tpu.memref_slice %arg5[%dma_wait3A_271, %dma_wait3A_275] : memref<16x128xi32, #tpu.memory_space<vmem>> -> memref<1x128xi32, #tpu.memory_space<vmem>>
    %dma_wait3A_277 = tpu.memref_squeeze %dma_wait3A_276 : memref<1x128xi32, #tpu.memory_space<vmem>> -> memref<128xi32, #tpu.memory_space<vmem>>
    %dma_wait3A_278 = arith.constant 0 : i32
    %dma_wait3A_279 = arith.constant 0 : i32
    %dma_wait3A_280 = tpu.memref_slice %arg7[%dma_wait3A_278, %dma_wait3A_279] : memref<16x32xf32, #tpu.memory_space<vmem_shared>> -> memref<16x32xf32, #tpu.memory_space<vmem_shared>>
    tpu.wait_indirect_dma semaphore(%arg8 : memref<!tpu.dma_semaphore, #tpu.memory_space<semaphore_mem>>) src(%dma_wait3A_280 : memref<16x32xf32, #tpu.memory_space<vmem_shared>>) dst(%dma_wait3A_274 : memref<128x32xf32, #tpu.memory_space<vmem>>)
    %dma_wait3A_281 = arith.constant 9 : i32
    %dma_wait3A_282 = arith.constant 1152 : i32
    %dma_wait3A_283 = arith.constant 0 : i32
    %dma_wait3A_284 = tpu.memref_slice %arg6[%dma_wait3A_282, %dma_wait3A_283] : memref<2048x32xf32, #tpu.memory_space<vmem>> -> memref<128x32xf32, #tpu.memory_space<vmem>>
    %dma_wait3A_285 = arith.constant 0 : i32
    %dma_wait3A_286 = tpu.memref_slice %arg5[%dma_wait3A_281, %dma_wait3A_285] : memref<16x128xi32, #tpu.memory_space<vmem>> -> memref<1x128xi32, #tpu.memory_space<vmem>>
    %dma_wait3A_287 = tpu.memref_squeeze %dma_wait3A_286 : memref<1x128xi32, #tpu.memory_space<vmem>> -> memref<128xi32, #tpu.memory_space<vmem>>
    %dma_wait3A_288 = arith.constant 0 : i32
    %dma_wait3A_289 = arith.constant 0 : i32
    %dma_wait3A_290 = tpu.memref_slice %arg7[%dma_wait3A_288, %dma_wait3A_289] : memref<16x32xf32, #tpu.memory_space<vmem_shared>> -> memref<16x32xf32, #tpu.memory_space<vmem_shared>>
    tpu.wait_indirect_dma semaphore(%arg8 : memref<!tpu.dma_semaphore, #tpu.memory_space<semaphore_mem>>) src(%dma_wait3A_290 : memref<16x32xf32, #tpu.memory_space<vmem_shared>>) dst(%dma_wait3A_284 : memref<128x32xf32, #tpu.memory_space<vmem>>)
    %dma_wait3A_291 = arith.constant 10 : i32
    %dma_wait3A_292 = arith.constant 1280 : i32
    %dma_wait3A_293 = arith.constant 0 : i32
    %dma_wait3A_294 = tpu.memref_slice %arg6[%dma_wait3A_292, %dma_wait3A_293] : memref<2048x32xf32, #tpu.memory_space<vmem>> -> memref<128x32xf32, #tpu.memory_space<vmem>>
    %dma_wait3A_295 = arith.constant 0 : i32
    %dma_wait3A_296 = tpu.memref_slice %arg5[%dma_wait3A_291, %dma_wait3A_295] : memref<16x128xi32, #tpu.memory_space<vmem>> -> memref<1x128xi32, #tpu.memory_space<vmem>>
    %dma_wait3A_297 = tpu.memref_squeeze %dma_wait3A_296 : memref<1x128xi32, #tpu.memory_space<vmem>> -> memref<128xi32, #tpu.memory_space<vmem>>
    %dma_wait3A_298 = arith.constant 0 : i32
    %dma_wait3A_299 = arith.constant 0 : i32
    %dma_wait3A_300 = tpu.memref_slice %arg7[%dma_wait3A_298, %dma_wait3A_299] : memref<16x32xf32, #tpu.memory_space<vmem_shared>> -> memref<16x32xf32, #tpu.memory_space<vmem_shared>>
    tpu.wait_indirect_dma semaphore(%arg8 : memref<!tpu.dma_semaphore, #tpu.memory_space<semaphore_mem>>) src(%dma_wait3A_300 : memref<16x32xf32, #tpu.memory_space<vmem_shared>>) dst(%dma_wait3A_294 : memref<128x32xf32, #tpu.memory_space<vmem>>)
    %dma_wait3A_301 = arith.constant 11 : i32
    %dma_wait3A_302 = arith.constant 1408 : i32
    %dma_wait3A_303 = arith.constant 0 : i32
    %dma_wait3A_304 = tpu.memref_slice %arg6[%dma_wait3A_302, %dma_wait3A_303] : memref<2048x32xf32, #tpu.memory_space<vmem>> -> memref<128x32xf32, #tpu.memory_space<vmem>>
    %dma_wait3A_305 = arith.constant 0 : i32
    %dma_wait3A_306 = tpu.memref_slice %arg5[%dma_wait3A_301, %dma_wait3A_305] : memref<16x128xi32, #tpu.memory_space<vmem>> -> memref<1x128xi32, #tpu.memory_space<vmem>>
    %dma_wait3A_307 = tpu.memref_squeeze %dma_wait3A_306 : memref<1x128xi32, #tpu.memory_space<vmem>> -> memref<128xi32, #tpu.memory_space<vmem>>
    %dma_wait3A_308 = arith.constant 0 : i32
    %dma_wait3A_309 = arith.constant 0 : i32
    %dma_wait3A_310 = tpu.memref_slice %arg7[%dma_wait3A_308, %dma_wait3A_309] : memref<16x32xf32, #tpu.memory_space<vmem_shared>> -> memref<16x32xf32, #tpu.memory_space<vmem_shared>>
    tpu.wait_indirect_dma semaphore(%arg8 : memref<!tpu.dma_semaphore, #tpu.memory_space<semaphore_mem>>) src(%dma_wait3A_310 : memref<16x32xf32, #tpu.memory_space<vmem_shared>>) dst(%dma_wait3A_304 : memref<128x32xf32, #tpu.memory_space<vmem>>)
    %mul3A_311 = arith.constant 2048 : i32
    %mul3A_312 = arith.muli %add3A, %mul3A_311 : i32
    %add3A_313 = arith.constant 1024 : i32
    %add3A_314 = arith.addi %mul3A_312, %add3A_313 : i32
    %dma_start3A_315 = arith.constant 1024 : i32
    %dma_start3A_316 = arith.constant 0 : i32
    %dma_start3A_317 = tpu.memref_slice %arg6[%dma_start3A_315, %dma_start3A_316] : memref<2048x32xf32, #tpu.memory_space<vmem>> -> memref<512x32xf32, #tpu.memory_space<vmem>>
    %dma_start3A_318 = arith.constant 0 : i32
    %dma_start3A_319 = tpu.memref_slice %arg4[%add3A_314, %dma_start3A_318] : memref<65536x32xf32, #tpu.memory_space<hbm>> -> memref<512x32xf32, #tpu.memory_space<hbm>>
    %dma_start3A_320 = arith.constant 0 : i32
    %dma_start3A_321 = tpu.memref_slice %arg4[%add3A_314, %dma_start3A_320] : memref<65536x32xf32, #tpu.memory_space<hbm>> -> memref<512x32xf32, #tpu.memory_space<hbm>>
    %dma_start3A_322 = arith.constant 1024 : i32
    %dma_start3A_323 = arith.constant 0 : i32
    %dma_start3A_324 = tpu.memref_slice %arg6[%dma_start3A_322, %dma_start3A_323] : memref<2048x32xf32, #tpu.memory_space<vmem>> -> memref<512x32xf32, #tpu.memory_space<vmem>>
    tpu.enqueue_dma source(%dma_start3A_324 : memref<512x32xf32, #tpu.memory_space<vmem>>) target(%dma_start3A_321 : memref<512x32xf32, #tpu.memory_space<hbm>>) target_semaphore(%arg9 : memref<!tpu.dma_semaphore, #tpu.memory_space<semaphore_mem>>)
    %dma_wait3A_325 = arith.constant 12 : i32
    %dma_wait3A_326 = arith.constant 1536 : i32
    %dma_wait3A_327 = arith.constant 0 : i32
    %dma_wait3A_328 = tpu.memref_slice %arg6[%dma_wait3A_326, %dma_wait3A_327] : memref<2048x32xf32, #tpu.memory_space<vmem>> -> memref<128x32xf32, #tpu.memory_space<vmem>>
    %dma_wait3A_329 = arith.constant 0 : i32
    %dma_wait3A_330 = tpu.memref_slice %arg5[%dma_wait3A_325, %dma_wait3A_329] : memref<16x128xi32, #tpu.memory_space<vmem>> -> memref<1x128xi32, #tpu.memory_space<vmem>>
    %dma_wait3A_331 = tpu.memref_squeeze %dma_wait3A_330 : memref<1x128xi32, #tpu.memory_space<vmem>> -> memref<128xi32, #tpu.memory_space<vmem>>
    %dma_wait3A_332 = arith.constant 0 : i32
    %dma_wait3A_333 = arith.constant 0 : i32
    %dma_wait3A_334 = tpu.memref_slice %arg7[%dma_wait3A_332, %dma_wait3A_333] : memref<16x32xf32, #tpu.memory_space<vmem_shared>> -> memref<16x32xf32, #tpu.memory_space<vmem_shared>>
    tpu.wait_indirect_dma semaphore(%arg8 : memref<!tpu.dma_semaphore, #tpu.memory_space<semaphore_mem>>) src(%dma_wait3A_334 : memref<16x32xf32, #tpu.memory_space<vmem_shared>>) dst(%dma_wait3A_328 : memref<128x32xf32, #tpu.memory_space<vmem>>)
    %dma_wait3A_335 = arith.constant 13 : i32
    %dma_wait3A_336 = arith.constant 1664 : i32
    %dma_wait3A_337 = arith.constant 0 : i32
    %dma_wait3A_338 = tpu.memref_slice %arg6[%dma_wait3A_336, %dma_wait3A_337] : memref<2048x32xf32, #tpu.memory_space<vmem>> -> memref<128x32xf32, #tpu.memory_space<vmem>>
    %dma_wait3A_339 = arith.constant 0 : i32
    %dma_wait3A_340 = tpu.memref_slice %arg5[%dma_wait3A_335, %dma_wait3A_339] : memref<16x128xi32, #tpu.memory_space<vmem>> -> memref<1x128xi32, #tpu.memory_space<vmem>>
    %dma_wait3A_341 = tpu.memref_squeeze %dma_wait3A_340 : memref<1x128xi32, #tpu.memory_space<vmem>> -> memref<128xi32, #tpu.memory_space<vmem>>
    %dma_wait3A_342 = arith.constant 0 : i32
    %dma_wait3A_343 = arith.constant 0 : i32
    %dma_wait3A_344 = tpu.memref_slice %arg7[%dma_wait3A_342, %dma_wait3A_343] : memref<16x32xf32, #tpu.memory_space<vmem_shared>> -> memref<16x32xf32, #tpu.memory_space<vmem_shared>>
    tpu.wait_indirect_dma semaphore(%arg8 : memref<!tpu.dma_semaphore, #tpu.memory_space<semaphore_mem>>) src(%dma_wait3A_344 : memref<16x32xf32, #tpu.memory_space<vmem_shared>>) dst(%dma_wait3A_338 : memref<128x32xf32, #tpu.memory_space<vmem>>)
    %dma_wait3A_345 = arith.constant 14 : i32
    %dma_wait3A_346 = arith.constant 1792 : i32
    %dma_wait3A_347 = arith.constant 0 : i32
    %dma_wait3A_348 = tpu.memref_slice %arg6[%dma_wait3A_346, %dma_wait3A_347] : memref<2048x32xf32, #tpu.memory_space<vmem>> -> memref<128x32xf32, #tpu.memory_space<vmem>>
    %dma_wait3A_349 = arith.constant 0 : i32
    %dma_wait3A_350 = tpu.memref_slice %arg5[%dma_wait3A_345, %dma_wait3A_349] : memref<16x128xi32, #tpu.memory_space<vmem>> -> memref<1x128xi32, #tpu.memory_space<vmem>>
    %dma_wait3A_351 = tpu.memref_squeeze %dma_wait3A_350 : memref<1x128xi32, #tpu.memory_space<vmem>> -> memref<128xi32, #tpu.memory_space<vmem>>
    %dma_wait3A_352 = arith.constant 0 : i32
    %dma_wait3A_353 = arith.constant 0 : i32
    %dma_wait3A_354 = tpu.memref_slice %arg7[%dma_wait3A_352, %dma_wait3A_353] : memref<16x32xf32, #tpu.memory_space<vmem_shared>> -> memref<16x32xf32, #tpu.memory_space<vmem_shared>>
    tpu.wait_indirect_dma semaphore(%arg8 : memref<!tpu.dma_semaphore, #tpu.memory_space<semaphore_mem>>) src(%dma_wait3A_354 : memref<16x32xf32, #tpu.memory_space<vmem_shared>>) dst(%dma_wait3A_348 : memref<128x32xf32, #tpu.memory_space<vmem>>)
    %dma_wait3A_355 = arith.constant 15 : i32
    %dma_wait3A_356 = arith.constant 1920 : i32
    %dma_wait3A_357 = arith.constant 0 : i32
    %dma_wait3A_358 = tpu.memref_slice %arg6[%dma_wait3A_356, %dma_wait3A_357] : memref<2048x32xf32, #tpu.memory_space<vmem>> -> memref<128x32xf32, #tpu.memory_space<vmem>>
    %dma_wait3A_359 = arith.constant 0 : i32
    %dma_wait3A_360 = tpu.memref_slice %arg5[%dma_wait3A_355, %dma_wait3A_359] : memref<16x128xi32, #tpu.memory_space<vmem>> -> memref<1x128xi32, #tpu.memory_space<vmem>>
    %dma_wait3A_361 = tpu.memref_squeeze %dma_wait3A_360 : memref<1x128xi32, #tpu.memory_space<vmem>> -> memref<128xi32, #tpu.memory_space<vmem>>
    %dma_wait3A_362 = arith.constant 0 : i32
    %dma_wait3A_363 = arith.constant 0 : i32
    %dma_wait3A_364 = tpu.memref_slice %arg7[%dma_wait3A_362, %dma_wait3A_363] : memref<16x32xf32, #tpu.memory_space<vmem_shared>> -> memref<16x32xf32, #tpu.memory_space<vmem_shared>>
    tpu.wait_indirect_dma semaphore(%arg8 : memref<!tpu.dma_semaphore, #tpu.memory_space<semaphore_mem>>) src(%dma_wait3A_364 : memref<16x32xf32, #tpu.memory_space<vmem_shared>>) dst(%dma_wait3A_358 : memref<128x32xf32, #tpu.memory_space<vmem>>)
    %mul3A_365 = arith.constant 2048 : i32
    %mul3A_366 = arith.muli %add3A, %mul3A_365 : i32
    %add3A_367 = arith.constant 1536 : i32
    %add3A_368 = arith.addi %mul3A_366, %add3A_367 : i32
    %dma_start3A_369 = arith.constant 1536 : i32
    %dma_start3A_370 = arith.constant 0 : i32
    %dma_start3A_371 = tpu.memref_slice %arg6[%dma_start3A_369, %dma_start3A_370] : memref<2048x32xf32, #tpu.memory_space<vmem>> -> memref<512x32xf32, #tpu.memory_space<vmem>>
    %dma_start3A_372 = arith.constant 0 : i32
    %dma_start3A_373 = tpu.memref_slice %arg4[%add3A_368, %dma_start3A_372] : memref<65536x32xf32, #tpu.memory_space<hbm>> -> memref<512x32xf32, #tpu.memory_space<hbm>>
    %dma_start3A_374 = arith.constant 0 : i32
    %dma_start3A_375 = tpu.memref_slice %arg4[%add3A_368, %dma_start3A_374] : memref<65536x32xf32, #tpu.memory_space<hbm>> -> memref<512x32xf32, #tpu.memory_space<hbm>>
    %dma_start3A_376 = arith.constant 1536 : i32
    %dma_start3A_377 = arith.constant 0 : i32
    %dma_start3A_378 = tpu.memref_slice %arg6[%dma_start3A_376, %dma_start3A_377] : memref<2048x32xf32, #tpu.memory_space<vmem>> -> memref<512x32xf32, #tpu.memory_space<vmem>>
    tpu.enqueue_dma source(%dma_start3A_378 : memref<512x32xf32, #tpu.memory_space<vmem>>) target(%dma_start3A_375 : memref<512x32xf32, #tpu.memory_space<hbm>>) target_semaphore(%arg9 : memref<!tpu.dma_semaphore, #tpu.memory_space<semaphore_mem>>)
    %dma_wait3A_379 = arith.constant 0 : i32
    %dma_wait3A_380 = arith.constant 0 : i32
    %dma_wait3A_381 = tpu.memref_slice %arg6[%dma_wait3A_379, %dma_wait3A_380] : memref<2048x32xf32, #tpu.memory_space<vmem>> -> memref<512x32xf32, #tpu.memory_space<vmem>>
    %dma_wait3A_382 = arith.constant 0 : i32
    %dma_wait3A_383 = tpu.memref_slice %arg4[%add3A_206, %dma_wait3A_382] : memref<65536x32xf32, #tpu.memory_space<hbm>> -> memref<512x32xf32, #tpu.memory_space<hbm>>
    %dma_wait3A_384 = arith.constant 0 : i32
    %dma_wait3A_385 = tpu.memref_slice %arg4[%add3A_206, %dma_wait3A_384] : memref<65536x32xf32, #tpu.memory_space<hbm>> -> memref<512x32xf32, #tpu.memory_space<hbm>>
    %dma_wait3A_386 = arith.constant 0 : i32
    %dma_wait3A_387 = arith.constant 0 : i32
    %dma_wait3A_388 = tpu.memref_slice %arg6[%dma_wait3A_386, %dma_wait3A_387] : memref<2048x32xf32, #tpu.memory_space<vmem>> -> memref<512x32xf32, #tpu.memory_space<vmem>>
    tpu.wait_dma2 semaphore(%arg9 : memref<!tpu.dma_semaphore, #tpu.memory_space<semaphore_mem>>) src(%dma_wait3A_388 : memref<512x32xf32, #tpu.memory_space<vmem>>) dst(%dma_wait3A_385 : memref<512x32xf32, #tpu.memory_space<hbm>>)
    %dma_wait3A_389 = arith.constant 512 : i32
    %dma_wait3A_390 = arith.constant 0 : i32
    %dma_wait3A_391 = tpu.memref_slice %arg6[%dma_wait3A_389, %dma_wait3A_390] : memref<2048x32xf32, #tpu.memory_space<vmem>> -> memref<512x32xf32, #tpu.memory_space<vmem>>
    %dma_wait3A_392 = arith.constant 0 : i32
    %dma_wait3A_393 = tpu.memref_slice %arg4[%add3A_260, %dma_wait3A_392] : memref<65536x32xf32, #tpu.memory_space<hbm>> -> memref<512x32xf32, #tpu.memory_space<hbm>>
    %dma_wait3A_394 = arith.constant 0 : i32
    %dma_wait3A_395 = tpu.memref_slice %arg4[%add3A_260, %dma_wait3A_394] : memref<65536x32xf32, #tpu.memory_space<hbm>> -> memref<512x32xf32, #tpu.memory_space<hbm>>
    %dma_wait3A_396 = arith.constant 512 : i32
    %dma_wait3A_397 = arith.constant 0 : i32
    %dma_wait3A_398 = tpu.memref_slice %arg6[%dma_wait3A_396, %dma_wait3A_397] : memref<2048x32xf32, #tpu.memory_space<vmem>> -> memref<512x32xf32, #tpu.memory_space<vmem>>
    tpu.wait_dma2 semaphore(%arg9 : memref<!tpu.dma_semaphore, #tpu.memory_space<semaphore_mem>>) src(%dma_wait3A_398 : memref<512x32xf32, #tpu.memory_space<vmem>>) dst(%dma_wait3A_395 : memref<512x32xf32, #tpu.memory_space<hbm>>)
    %dma_wait3A_399 = arith.constant 1024 : i32
    %dma_wait3A_400 = arith.constant 0 : i32
    %dma_wait3A_401 = tpu.memref_slice %arg6[%dma_wait3A_399, %dma_wait3A_400] : memref<2048x32xf32, #tpu.memory_space<vmem>> -> memref<512x32xf32, #tpu.memory_space<vmem>>
    %dma_wait3A_402 = arith.constant 0 : i32
    %dma_wait3A_403 = tpu.memref_slice %arg4[%add3A_314, %dma_wait3A_402] : memref<65536x32xf32, #tpu.memory_space<hbm>> -> memref<512x32xf32, #tpu.memory_space<hbm>>
    %dma_wait3A_404 = arith.constant 0 : i32
    %dma_wait3A_405 = tpu.memref_slice %arg4[%add3A_314, %dma_wait3A_404] : memref<65536x32xf32, #tpu.memory_space<hbm>> -> memref<512x32xf32, #tpu.memory_space<hbm>>
    %dma_wait3A_406 = arith.constant 1024 : i32
    %dma_wait3A_407 = arith.constant 0 : i32
    %dma_wait3A_408 = tpu.memref_slice %arg6[%dma_wait3A_406, %dma_wait3A_407] : memref<2048x32xf32, #tpu.memory_space<vmem>> -> memref<512x32xf32, #tpu.memory_space<vmem>>
    tpu.wait_dma2 semaphore(%arg9 : memref<!tpu.dma_semaphore, #tpu.memory_space<semaphore_mem>>) src(%dma_wait3A_408 : memref<512x32xf32, #tpu.memory_space<vmem>>) dst(%dma_wait3A_405 : memref<512x32xf32, #tpu.memory_space<hbm>>)
    %dma_wait3A_409 = arith.constant 1536 : i32
    %dma_wait3A_410 = arith.constant 0 : i32
    %dma_wait3A_411 = tpu.memref_slice %arg6[%dma_wait3A_409, %dma_wait3A_410] : memref<2048x32xf32, #tpu.memory_space<vmem>> -> memref<512x32xf32, #tpu.memory_space<vmem>>
    %dma_wait3A_412 = arith.constant 0 : i32
    %dma_wait3A_413 = tpu.memref_slice %arg4[%add3A_368, %dma_wait3A_412] : memref<65536x32xf32, #tpu.memory_space<hbm>> -> memref<512x32xf32, #tpu.memory_space<hbm>>
    %dma_wait3A_414 = arith.constant 0 : i32
    %dma_wait3A_415 = tpu.memref_slice %arg4[%add3A_368, %dma_wait3A_414] : memref<65536x32xf32, #tpu.memory_space<hbm>> -> memref<512x32xf32, #tpu.memory_space<hbm>>
    %dma_wait3A_416 = arith.constant 1536 : i32
    %dma_wait3A_417 = arith.constant 0 : i32
    %dma_wait3A_418 = tpu.memref_slice %arg6[%dma_wait3A_416, %dma_wait3A_417] : memref<2048x32xf32, #tpu.memory_space<vmem>> -> memref<512x32xf32, #tpu.memory_space<vmem>>
    tpu.wait_dma2 semaphore(%arg9 : memref<!tpu.dma_semaphore, #tpu.memory_space<semaphore_mem>>) src(%dma_wait3A_418 : memref<512x32xf32, #tpu.memory_space<vmem>>) dst(%dma_wait3A_415 : memref<512x32xf32, #tpu.memory_space<hbm>>)
    return
  }
}

</mosaic_0001>

<sc_bundles>
// kernel: kernel.3.cloned.1.call-start
scs
__scs_entry_jumppad:
0x0: {  	(pc) =	sbr.rel $0x88, $3  }
0x1: {  	(tag) =	ssettag $0x0;
	lr =	simm.s32 $0x1  }
0x2: {  	[smem:$0x3F9F] =	sst lr;
	_ =	strace $0xD0000000  }
0x3: {  	_ = 	snop  }
0x4: {  	_ = 	snop  }
0x5: {  	_ = 	snop  }
0x6: {  	_ = 	snop  }
0x7: {  	_ = 	snop  }
__scs_overlays_trampoline_lowered:
0x8: {  	[smem:$0x3FAE] =	sst s0  }
0x9: {  	[smem:$0x3FAF] =	sst s1  }
0xa: {  	[smem:$0x3FB0] =	sst s2  }
0xb: {  	[smem:$0x3FB1] =	sst s3  }
0xc: {  	[smem:$0x3FB2] =	sst s4  }
0xd: {  	[smem:$0x3FB3] =	sst s5  }
0xe: {  	[smem:$0x3FB4] =	sst s6  }
0xf: {  	[smem:$0x3FB5] =	sst s7  }
0x10: {  	[smem:$0x3FB6] =	sst s8  }
0x11: {  	[smem:$0x3FB7] =	sst s9;
	s0 =	simm.s32 @!p0 $0x0  }
0x12: {  	s1 =	sld [smem:$0x3F9D];
	s0 =	simm.s32 @p0 $0x1  }
0x13: {  	[smem:$0x3FB8] =	sst s0;
	s0 =	simm.s32 @!p1 $0x0  }
0x14: {  	s2 =	sld [smem:$0x3F9C];
	s0 =	simm.s32 @p1 $0x1  }
0x15: {  	[smem:$0x3FB9] =	sst s0;
	s0 =	simm.s32 @!p2 $0x0  }
0x16: {  	s3 =	sld [smem:$0x3FDB];
	s0 =	simm.s32 @p2 $0x1  }
0x17: {  	s4 =	simm.s32 $0x1BF5;
	[smem:$0x3FBB] =	sst s0  }
0x18: {  	s0 =	sld [smem:$0x3F9E];
	_ =	swait.ge [sflag:s4], $0x0  }
0x19: {  	s7 =	sld [smem:$0x3F9F]  }
0x1a: {  	s8 =	sadd.s32 $0xFFFFE003, lr  }
0x1b: {  	s9 =	sadd.s32 $0xFFFFFEF7, lr;
	s5 =	simm.s32 $0xFFFFFFFF;
	p2 =	slt.u32 s8, $0xFFFFF086  }
0x1c: {  	p1 =	slt.u32 s9, $0xF7A;
	s5 =	simm.s32 @!p2 $0x0  }
0x1d: {  	s5 =	simm.s32 @p1 $0x1;
	p0 =	seq.s32 s7, s2  }
0x1e: {  	s7 =	smul.u32 @!p0 $0xF7A, s2;
	p2 =	seq.s32 @!p0 s5, $0x0  }
0x1f: {  	s9 =	smul.u32 $0xF7A, s1;
	s8 =	simm.s32 @!p0 $0x1BF5;
	p2 =	por !p2, p0  }
0x20: {  	[sflag:s8] =	ssyncset.s32 @!p0 $0xFFFFF086;
	s6 =	sadd.s32 @!p0 s3, s7;
	s7 =	simm.s32 @!p0 $0x108  }
0x21: {  	s3 =	sadd.s32 s3, s9;
	s6 =	sadd.s32 @!p0 $0x88, s6;
	s7 =	simm.s32 @p2 $0x1082  }
0x22: {  	[simem:s7], [sflag:s8] =	dma.local @!p0 [hbm:s6], $0xF7A  }
0x23: {  	s9 =	sor.u32 $0xD0000000, s2;
	s6 =	simm.s32 $0x108;
	_ =	swait.ge @!p0 [sflag:s8], $0x0  }
0x24: {  	s3 =	sadd.s32 $0x88, s3;
	s6 =	simm.s32 @!p1 $0x1082;
	[sflag:s4] =	ssyncset.s32 $0xFFFFF086  }
0x25: {  	[simem:s6], [sflag:s4] =	dma.local [hbm:s3], $0xF7A  }
0x26: {  	[smem:$0x3F9F] =	sst s1;
	(tag) =	ssettag s2;
	_ =	strace s9  }
0x27: {  	s1 =	sld [smem:$0x3FAF]  }
0x28: {  	s2 =	sld [smem:$0x3FB0]  }
0x29: {  	s4 =	sld [smem:$0x3FB2]  }
0x2a: {  	p0 =	seq.s32 s5, $0x0;
	s5 =	sld [smem:$0x3FB3]  }
0x2b: {  	s6 =	sld [smem:$0x3FB4]  }
0x2c: {  	s7 =	sld [smem:$0x3FB5]  }
0x2d: {  	s3 =	simm.s32 $0x108;
	s8 =	sld [smem:$0x3FB6]  }
0x2e: {  	s3 =	simm.s32 @!p0 $0x1082;
	s9 =	sld [smem:$0x3FB7]  }
0x2f: {  	lr =	sadd.s32 s0, s3;
	s0 =	sld [smem:$0x3FAE]  }
0x30: {  	s3 =	sld [smem:$0x3FB1]  }
0x31: {  	[smem:$0x3FBA] =	sst s10  }
0x32: {  	s10 =	sld [smem:$0x3FB8];
	_ =	sdelay $0x3  }
0x33: {  	p0 =	seq.s32 s10, $0x1;
	s10 =	sld [smem:$0x3FBA];
	_ =	sdelay $0x3  }
0x34: {  	[smem:$0x3FBA] =	sst s10  }
0x35: {  	s10 =	sld [smem:$0x3FB9];
	_ =	sdelay $0x3  }
0x36: {  	p1 =	seq.s32 s10, $0x1;
	s10 =	sld [smem:$0x3FBA];
	_ =	sdelay $0x3  }
0x37: {  	[smem:$0x3FBA] =	sst s10  }
0x38: {  	s10 =	sld [smem:$0x3FBB]  }
0x39: {  	_ = 	snop;
	(pc) =	sbr.ind lr, $3  }
0x3a: {  	_ = 	snop  }
0x3b: {  	_ = 	snop  }
0x3c: {  	p2 =	seq.s32 s10, $0x1;
	s10 =	sld [smem:$0x3FBA]  }
0x3d: {  	_ =	shalt  }
0x3e: {  	_ =	shalt  }
0x3f: {  	_ =	shalt  }
0x40: {  	_ =	shalt  }
0x41: {  	_ =	shalt  }
0x42: {  	_ =	shalt  }
0x43: {  	_ =	shalt  }
0x44: {  	_ =	shalt  }
0x45: {  	_ =	shalt  }
0x46: {  	_ =	shalt  }
0x47: {  	_ =	shalt  }
0x48: {  	_ =	shalt  }
0x49: {  	_ =	shalt  }
0x4a: {  	_ =	shalt  }
0x4b: {  	_ =	shalt  }
0x4c: {  	_ =	shalt  }
0x4d: {  	_ =	shalt  }
0x4e: {  	_ =	shalt  }
0x4f: {  	_ =	shalt  }
0x50: {  	_ =	shalt  }
0x51: {  	_ =	shalt  }
0x52: {  	_ =	shalt  }
0x53: {  	_ =	shalt  }
0x54: {  	_ =	shalt  }
0x55: {  	_ =	shalt  }
0x56: {  	_ =	shalt  }
0x57: {  	_ =	shalt  }
0x58: {  	_ =	shalt  }
0x59: {  	_ =	shalt  }
0x5a: {  	_ =	shalt  }
0x5b: {  	_ =	shalt  }
0x5c: {  	_ =	shalt  }
0x5d: {  	_ =	shalt  }
0x5e: {  	_ =	shalt  }
0x5f: {  	_ =	shalt  }
0x60: {  	_ =	shalt  }
0x61: {  	_ =	shalt  }
0x62: {  	_ =	shalt  }
0x63: {  	_ =	shalt  }
0x64: {  	_ =	shalt  }
0x65: {  	_ =	shalt  }
0x66: {  	_ =	shalt  }
0x67: {  	_ =	shalt  }
0x68: {  	_ =	shalt  }
0x69: {  	_ =	shalt  }
0x6a: {  	_ =	shalt  }
0x6b: {  	_ =	shalt  }
0x6c: {  	_ =	shalt  }
0x6d: {  	_ =	shalt  }
0x6e: {  	_ =	shalt  }
0x6f: {  	_ =	shalt  }
0x70: {  	_ =	shalt  }
0x71: {  	_ =	shalt  }
0x72: {  	_ =	shalt  }
0x73: {  	_ =	shalt  }
0x74: {  	_ =	shalt  }
0x75: {  	_ =	shalt  }
0x76: {  	_ =	shalt  }
0x77: {  	_ =	shalt  }
0x78: {  	_ =	shalt  }
0x79: {  	_ =	shalt  }
0x7a: {  	_ =	shalt  }
0x7b: {  	_ =	shalt  }
0x7c: {  	_ =	shalt  }
0x7d: {  	_ =	shalt  }
0x7e: {  	_ =	shalt  }
0x7f: {  	_ =	shalt  }
0x80: {  	_ =	shalt  }
0x81: {  	_ =	shalt  }
0x82: {  	_ =	shalt  }
0x83: {  	_ =	shalt  }
0x84: {  	_ =	shalt  }
0x85: {  	_ =	shalt  }
0x86: {  	_ =	shalt  }
0x87: {  	_ =	shalt  }
.Lfunc_end0:
.L_simem_size_0:
called_computation_lowered:
.L_overlay_start_0:
0x88: {  	s2 =	sld [smem:$0x3FD9]  }
0x89: {  	s3 =	sld [smem:$0x3FFE];
	_ =	sdelay $0x1  }
0x8a: {  	s1 =	srdreg.scid  }
0x8b: {  	s0 =	sand.u32 $0x1, s1  }
0x8c: {  	s17 =	sshll.u32 s0, $0xA;
	s2 =	sadd.s32 s3, s2  }
0x8d: {  	s2 =	sadd.s32 s2, s17  }
0x8e: {  	[smem:$0x3FC6] =	sst s2  }
0x8f: {  	_ = 	snop  }
0x90: {  	s2 =	sld [smem:$0x3FD0];
	(tm) =	ssettm $0x1  }
0x91: {  	s18 =	sld [smem:$0x3FFB];
	_ =	sdelay $0x3  }
0x92: {  	_ =	strace s18  }
0x93: {  	s3 =	sld [smem:$0x3FFC];
	_ =	sdelay $0x3  }
0x94: {  	_ =	strace s3  }
0x95: {  	s3 =	sld [smem:$0x3FFD];
	_ =	sdelay $0x3  }
0x96: {  	_ =	strace s3  }
0x97: {  	_ =	strace $0x8FFFFFFF  }
0x98: {  	s19 =	sld [smem:$0x3FDB];
	_ =	sdelay $0x1  }
0x99: {  	s4 =	simm.s32 $_scs_section_size  }
0x9a: {  	s5 =	simm.s32 $_size__tile_overlayer_lowered;
	s6 =	simm.s32 $_tile_overlayer_lowered  }
0x9b: {  	s22 =	simm.s32 $0x1BFF;
	s21 =	sshll.u32 s6, $0x1;
	s3 =	sadd.s32 s4, s19  }
0x9c: {  	s7 =	simm.s32 $0x0;
	s20 =	sshll.u32 s5, $0x1;
	s5 =	sadd.s32 s21, s3  }
0x9d: {  	[timem:s7], [sflag:s22] =	dma.local [hbm:s5], s20  }
0x9e: {  	_ =	swait.ge [sflag:s22], s20  }
0x9f: {  	s4 =	ssub.s32 $0x0, s20;
	[sflag:s22] =	ssyncset.done $0x0  }
0xa0: {  	[sflag:s22] =	ssyncadd.s32 s4;
	_ =	sdelay $0x1  }
0xa1: {  	s23 =	simm.s32 $0x1B8B  }
0xa2: {  	_ =	swait.ge [sflag:s23], $0x1  }
0xa3: {  	[sflag:s23] =	ssyncset.done $0x0  }
0xa4: {  	s25 =	simm.s32 $0x1B8E;
	s24 =	sld [smem:$0x3FFE];
	[sflag:s23] =	ssyncadd.s32 $0xFFFFFFFF  }
0xa5: {  	s26 =	simm.s32 $execute0_lowered;
	[smem:$0x3FD2] =	sst s25  }
0xa6: {  	s5 =	sshll.u32 s26, $0x1;
	_ =	strace $0x80000046;
	[dreg:$0x1] =	wrdreg $0xFFFFFFFF  }
0xa7: {  	s28 =	simm.s32 $_size_execute0_lowered;
	s3 =	sadd.s32 s3, s5;
	[dreg:$0x0] =	wrdreg $0x0  }
0xa8: {  	s5 =	sshll.u32 s28, $0x1;
	[dreg:$0x2] =	wrdreg s3  }
0xa9: {  	[dreg:$0x3] =	wrdreg s5  }
0xaa: {  	[dreg:$0x4] =	wrdreg $0xC0  }
0xab: {  	_ =	task [dreg:s7], $0x5FFFF  }
0xac: {  	[dreg:$0x1] =	wrdreg $0xFFFFFFFF  }
0xad: {  	[dreg:$0x0] =	wrdreg $0x60  }
0xae: {  	[dreg:$0x2] =	wrdreg s24  }
0xaf: {  	[dreg:$0x3] =	wrdreg s2  }
0xb0: {  	[dreg:$0x4] =	wrdreg $0x108000  }
0xb1: {  	[dreg:$0x5] =	wrdreg $0x9  }
0xb2: {  	_ =	task.clear_ibuf [dreg:s7], $0x6FFFF;
	_ =	strace $0x90000046  }
0xb3: {  	s29 =	simm.s32 $0x9;
	_ =	strace $0x80000048  }
0xb4: {  	_ =	swait.ge [sflag:s29], $0x1  }
0xb5: {  	[sflag:s29] =	ssyncadd.s32 $0xFFFFFFFF  }
0xb6: {  	_ =	strace $0x90000048  }
0xb7: {  	_ =	sfence  }
0xb8: {  	s30 =	sld [smem:$0x0];
	_ =	sdelay $0x2  }
0xb9: {  	s31 =	sshll.u32 s1, $0xD;
	s1 =	sshrl.u32 s1, $0x2  }
0xba: {  	s3 =	sand.u32 $0x4000, s31;
	s1 =	sadd.s32 s1, s30  }
0xbb: {  	s0 =	sor.u32 s3, s0;
	s1 =	sshll.u32 s1, $0x11  }
0xbc: {  	s0 =	sor.u32 s1, s0  }
0xbd: {  	s0 =	sadd.s32 $0x8F2B, s0  }
0xbe: {  	[sflag:s0] =	ssyncadd.remote.s32 $0x1  }
0xbf: {  	_ =	sfence.sel $0xFFFF  }
0xc0: {  	[dreg:$0x0] =	wrdreg $0xFFFFFFFF;
	(pc) =	sbr.abs _section_cstart, $3  }
0xc1: {  	[dreg:$0x1] =	wrdreg $0xFFFFFFFF  }
0xc2: {  	_ =	task.clear_ibuf [dreg:s7], $0x2FFFF;
	_ =	strace $0x9FFFFFFF  }
0xc3: {  	(tm) =	ssettm $0x7FFFFFFF  }
tec
execute0_lowered:
.L_overlay_start_1:
0x0: {  	(tag) =	ssettag $0x1  }
0x1: {  	s3 =	rddreg [dreg:$0x0]  }
0x2: {  	s4 =	rddreg [dreg:$0x1]  }
0x3: {  	s1 =	rddreg [dreg:$0x2];
	s2 =	simm.s32 $0x0  }
0x4: {  	s10 =	simm.s32 $0x1800;
	[smem:$0x7FF] =	sst s2  }
0x5: {  	s11 =	simm.s32 $0x100;
	_ =	strace $0x80000047;
	[dreg:$0xa] =	wrdreg s10  }
0x6: {  	s12 =	simm.s32 $0x2800;
	[dreg:$0xb] =	wrdreg s11  }
0x7: {  	s13 =	simm.s32 $0x180;
	[dreg:$0xc] =	wrdreg s12  }
0x8: {  	s5 =	srdreg.scid;
	s14 =	simm.s32 $0x3800;
	[dreg:$0xd] =	wrdreg s13  }
0x9: {  	s6 =	stileid.u32;
	s15 =	simm.s32 $0x200;
	[dreg:$0xe] =	wrdreg s14  }
0xa: {  	s16 =	simm.s32 $0x280;
	s17 =	simm.s32 $0x5800;
	[dreg:$0xf] =	wrdreg s15  }
0xb: {  	s30 =	sand.u32 $0x1, s5;
	s7 =	sshll.u32 s6, $0x1;
	[dreg:$0x10] =	wrdreg s16  }
0xc: {  	s18 =	simm.s32 $0x300;
	s5 =	sor.u32 s30, s7;
	[dreg:$0x11] =	wrdreg s17  }
0xd: {  	s19 =	simm.s32 $0x6800;
	[dreg:$0x12] =	wrdreg s18;
	s7 =	sshll.u32 s5, $0x8  }
0xe: {  	[dreg:$0x13] =	wrdreg s19;
	s7 =	sadd.s32 s7, s3;
	s3 =	sadd.s32 $0x400, s3  }
0xf: {  	s5 =	sshll.u32 s5, $0xD;
	[dreg:$0x4] =	wrdreg s3;
	s7 =	sadd.s32 $0x600, s7  }
0x10: {  	s3 =	sadd.s32 s4, s5;
	[dreg:$0x5] =	wrdreg s7  }
0x11: {  	p0 =	sne.s32 s6, $0x0;
	s4 =	sadd.s32 $0x800, s3;
	s6 =	rddreg [dreg:$0x4]  }
0x12: {  	s8 =	sadd.s32 $0x1000, s3;
	[dreg:$0x6] =	wrdreg s4  }
0x13: {  	s9 =	sadd.s32 $0x1800, s3;
	[dreg:$0x7] =	wrdreg s8  }
0x14: {  	[dreg:$0x8] =	wrdreg s9;
	s4 =	sshrl.u32 @!p0 s1, $0x3  }
0x15: {  	[dreg:$0x9] =	wrdreg s4  }
0x16: {  	s0 =	simm.s32 @!p0 $0x1C03;
	s5 =	simm.s32 @!p0 $0x3;
	s7 =	rddreg [dreg:$0x9]  }
0x17: {  	[spmem:s7], [sflag:s0] =	dma.local @!p0 [hbm:s6], $0x40  }
0x18: {  	_ =	swait.ge @!p0 [sflag:s5], $0x40  }
0x19: {  	[sflag:s5] =	ssyncset.done @!p0 $0x0  }
0x1a: {  	s6 =	simm.s32 $0x3;
	s20 =	rddreg [dreg:$0x5];
	[sflag:s5] =	ssyncadd.s32 @!p0 $0xFFFFFFC0  }
0x1b: {  	[tilespmem:s2], [sflag:$0x3] =	stream.linear.gather [hbm4b:s20+s2], $0x800, $0x38;
	[tilespmem:$0x10820] =	vst v63  }
0x1c: {  	_ =	swait.ge [sflag:s6], $0x800  }
0x1d: {  	[sflag:s6] =	ssyncset.done $0x0  }
0x1e: {  	[sflag:s6] =	ssyncadd.s32 $0xFFFFF800  }
0x1f: {  	[bflag:$0x0] =	sbarrier.arrive $0xFFFF  }
0x20: {  	s8 =	simm.s32 $0x800;
	s7 =	simm.s32 $0x80;
	s10 =	rddreg [dreg:$0x13]  }
0x21: {  	[tilespmem:s8], [sflag:$0x1] =	stream.indirect.gather [spmem:s1], $0x20, s2, s7, $0xb8;
	[tilespmem:$0x10820] =	vst v63  }
0x22: {  	s9 =	rddreg [dreg:$0xb]  }
0x23: {  	s11 =	rddreg [dreg:$0x11]  }
0x24: {  	s12 =	rddreg [dreg:$0xa]  }
0x25: {  	s13 =	rddreg [dreg:$0xc]  }
0x26: {  	[tilespmem:s12], [sflag:$0x1] =	stream.indirect.gather [spmem:s1], $0x20, s7, s7, $0xb8;
	[tilespmem:$0x10820] =	vst v63  }
0x27: {  	s14 =	rddreg [dreg:$0xe]  }
0x28: {  	[tilespmem:s13], [sflag:$0x1] =	stream.indirect.gather [spmem:s1], $0x20, s9, s7, $0xb8;
	[tilespmem:$0x10820] =	vst v63  }
0x29: {  	s21 =	rddreg [dreg:$0xd]  }
0x2a: {  	[tilespmem:s14], [sflag:$0x1] =	stream.indirect.gather [spmem:s1], $0x20, s21, s7, $0xb8;
	[tilespmem:$0x10820] =	vst v63  }
0x2b: {  	s22 =	rddreg [dreg:$0xf];
	s9 =	simm.s32 $0x4800  }
0x2c: {  	[tilespmem:s9], [sflag:$0x1] =	stream.indirect.gather [spmem:s1], $0x20, s22, s7, $0xb8;
	[tilespmem:$0x10820] =	vst v63  }
0x2d: {  	s23 =	rddreg [dreg:$0x10]  }
0x2e: {  	[tilespmem:s11], [sflag:$0x1] =	stream.indirect.gather [spmem:s1], $0x20, s23, s7, $0xb8;
	[tilespmem:$0x10820] =	vst v63  }
0x2f: {  	s24 =	rddreg [dreg:$0x12]  }
0x30: {  	[tilespmem:s10], [sflag:$0x1] =	stream.indirect.gather [spmem:s1], $0x20, s24, s7, $0xb8;
	[tilespmem:$0x10820] =	vst v63  }
0x31: {  	s25 =	simm.s32 $0x380;
	s26 =	simm.s32 $0x7800  }
0x32: {  	[tilespmem:s26], [sflag:$0x1] =	stream.indirect.gather [spmem:s1], $0x20, s25, s7, $0xb8;
	[tilespmem:$0x10820] =	vst v63  }
0x33: {  	s13 =	simm.s32 $0x8800;
	s10 =	simm.s32 $0x400  }
0x34: {  	[tilespmem:s13], [sflag:$0x1] =	stream.indirect.gather [spmem:s1], $0x20, s10, s7, $0xb8;
	[tilespmem:$0x10820] =	vst v63  }
0x35: {  	s12 =	simm.s32 $0x9800;
	s11 =	simm.s32 $0x480  }
0x36: {  	[tilespmem:s12], [sflag:$0x1] =	stream.indirect.gather [spmem:s1], $0x20, s11, s7, $0xb8;
	[tilespmem:$0x10820] =	vst v63  }
0x37: {  	s16 =	simm.s32 $0x500;
	s17 =	simm.s32 $0xA800  }
0x38: {  	[tilespmem:s17], [sflag:$0x1] =	stream.indirect.gather [spmem:s1], $0x20, s16, s7, $0xb8;
	[tilespmem:$0x10820] =	vst v63  }
0x39: {  	s18 =	simm.s32 $0x580;
	s19 =	simm.s32 $0xB800  }
0x3a: {  	[tilespmem:s19], [sflag:$0x1] =	stream.indirect.gather [spmem:s1], $0x20, s18, s7, $0xb8;
	[tilespmem:$0x10820] =	vst v63  }
0x3b: {  	s20 =	simm.s32 $0x600;
	s21 =	simm.s32 $0xC800  }
0x3c: {  	[tilespmem:s21], [sflag:$0x1] =	stream.indirect.gather [spmem:s1], $0x20, s20, s7, $0xb8;
	[tilespmem:$0x10820] =	vst v63  }
0x3d: {  	s22 =	simm.s32 $0x680;
	s23 =	simm.s32 $0xD800  }
0x3e: {  	[tilespmem:s23], [sflag:$0x1] =	stream.indirect.gather [spmem:s1], $0x20, s22, s7, $0xb8;
	[tilespmem:$0x10820] =	vst v63  }
0x3f: {  	s24 =	simm.s32 $0x700;
	s25 =	simm.s32 $0xE800  }
0x40: {  	[tilespmem:s25], [sflag:$0x1] =	stream.indirect.gather [spmem:s1], $0x20, s24, s7, $0xb8;
	[tilespmem:$0x10820] =	vst v63  }
0x41: {  	s28 =	simm.s32 $0xF800;
	s29 =	simm.s32 $0x1;
	s26 =	simm.s32 $0x780  }
0x42: {  	[tilespmem:s28], [sflag:$0x1] =	stream.indirect.gather [spmem:s1], $0x20, s26, s7, $0xb8;
	[tilespmem:$0x10820] =	vst v63  }
0x43: {  	_ =	swait.ge [sflag:s29], $0x1000  }
0x44: {  	[sflag:s29] =	ssyncset.done $0x0  }
0x45: {  	[sflag:s29] =	ssyncadd.s32 $0xFFFFF000  }
0x46: {  	_ =	swait.ge [sflag:s29], $0x1000  }
0x47: {  	[sflag:s29] =	ssyncset.done $0x0  }
0x48: {  	[sflag:s29] =	ssyncadd.s32 $0xFFFFF000  }
0x49: {  	_ =	swait.ge [sflag:s29], $0x1000  }
0x4a: {  	[sflag:s29] =	ssyncset.done $0x0  }
0x4b: {  	[sflag:s29] =	ssyncadd.s32 $0xFFFFF000  }
0x4c: {  	_ =	swait.ge [sflag:s29], $0x1000  }
0x4d: {  	[sflag:s29] =	ssyncset.done $0x0  }
0x4e: {  	[sflag:s29] =	ssyncadd.s32 $0xFFFFF000  }
0x4f: {  	[hbm4b:s3+s2] =	stream.linear.scatter [tilespmem:s8], [sflag:$0x2], $0x4000, $0x38;
	[tilespmem:$0x10820] =	vst v63  }
0x50: {  	_ =	swait.ge [sflag:s29], $0x1000  }
0x51: {  	[sflag:s29] =	ssyncset.done $0x0  }
0x52: {  	[sflag:s29] =	ssyncadd.s32 $0xFFFFF000  }
0x53: {  	_ =	swait.ge [sflag:s29], $0x1000  }
0x54: {  	[sflag:s29] =	ssyncset.done $0x0  }
0x55: {  	[sflag:s29] =	ssyncadd.s32 $0xFFFFF000  }
0x56: {  	_ =	swait.ge [sflag:s29], $0x1000  }
0x57: {  	[sflag:s29] =	ssyncset.done $0x0  }
0x58: {  	[sflag:s29] =	ssyncadd.s32 $0xFFFFF000  }
0x59: {  	_ =	swait.ge [sflag:s29], $0x1000  }
0x5a: {  	[sflag:s29] =	ssyncset.done $0x0  }
0x5b: {  	s31 =	rddreg [dreg:$0x6];
	[sflag:s29] =	ssyncadd.s32 $0xFFFFF000  }
0x5c: {  	[hbm4b:s31+s2] =	stream.linear.scatter [tilespmem:s9], [sflag:$0x2], $0x4000, $0x38;
	[tilespmem:$0x10820] =	vst v63  }
0x5d: {  	_ =	swait.ge [sflag:s29], $0x1000  }
0x5e: {  	[sflag:s29] =	ssyncset.done $0x0  }
0x5f: {  	[sflag:s29] =	ssyncadd.s32 $0xFFFFF000  }
0x60: {  	_ =	swait.ge [sflag:s29], $0x1000  }
0x61: {  	[sflag:s29] =	ssyncset.done $0x0  }
0x62: {  	[sflag:s29] =	ssyncadd.s32 $0xFFFFF000  }
0x63: {  	_ =	swait.ge [sflag:s29], $0x1000  }
0x64: {  	[sflag:s29] =	ssyncset.done $0x0  }
0x65: {  	[sflag:s29] =	ssyncadd.s32 $0xFFFFF000  }
0x66: {  	_ =	swait.ge [sflag:s29], $0x1000  }
0x67: {  	[sflag:s29] =	ssyncset.done $0x0  }
0x68: {  	s31 =	rddreg [dreg:$0x7];
	[sflag:s29] =	ssyncadd.s32 $0xFFFFF000  }
0x69: {  	[hbm4b:s31+s2] =	stream.linear.scatter [tilespmem:s13], [sflag:$0x2], $0x4000, $0x38;
	[tilespmem:$0x10820] =	vst v63  }
0x6a: {  	_ =	swait.ge [sflag:s29], $0x1000  }
0x6b: {  	[sflag:s29] =	ssyncset.done $0x0  }
0x6c: {  	[sflag:s29] =	ssyncadd.s32 $0xFFFFF000  }
0x6d: {  	_ =	swait.ge [sflag:s29], $0x1000  }
0x6e: {  	[sflag:s29] =	ssyncset.done $0x0  }
0x6f: {  	[sflag:s29] =	ssyncadd.s32 $0xFFFFF000  }
0x70: {  	_ =	swait.ge [sflag:s29], $0x1000  }
0x71: {  	[sflag:s29] =	ssyncset.done $0x0  }
0x72: {  	s30 =	ssub.s32 $0x2, s30;
	[sflag:s29] =	ssyncadd.s32 $0xFFFFF000  }
0x73: {  	s14 =	sshrl.u32 s30, $0x1;
	_ =	swait.ge [sflag:s29], $0x1000  }
0x74: {  	s0 =	ssub.s32 s30, s14;
	[sflag:s29] =	ssyncset.done $0x0  }
0x75: {  	s0 =	smax.u32 s0, $0x1;
	s31 =	rddreg [dreg:$0x8];
	[sflag:s29] =	ssyncadd.s32 $0xFFFFF000  }
0x76: {  	[hbm4b:s31+s2] =	stream.linear.scatter [tilespmem:s21], [sflag:$0x2], $0x4000, $0x38;
	[tilespmem:$0x10820] =	vst v63  }
0x77: {  	s31 =	sadd.s32 $0xFFFFFFFF, s0  }
0x78: {  	p1 =	sne.s32 s31, $0x0  }
.Ltmp0:
0x79: {  	_ = 	snop;
	(pc) =	sbr.rel @!p1 .LBB2_2-.Ltmp0, $4  }
0x7a: {  	s30 =	simm.s32 $0x2  }
0x7b: {  	_ =	swait.ge [sflag:s30], $0x4000  }
0x7c: {  	[sflag:s30] =	ssyncset.done $0x0  }
0x7d: {  	s15 =	simm.s32 $0x9800;
	[sflag:s30] =	ssyncadd.s32 $0xFFFFC000  }
.LBB2_1:
0x7e: {  	_ =	swait.ge [sflag:s30], $0x4000  }
0x7f: {  	[sflag:s30] =	ssyncset.done $0x0  }
0x80: {  	[sflag:s30] =	ssyncadd.s32 $0xFFFFC000  }
0x81: {  	_ =	swait.ge [sflag:s30], $0x4000  }
0x82: {  	[sflag:s30] =	ssyncset.done $0x0  }
0x83: {  	[sflag:s30] =	ssyncadd.s32 $0xFFFFC000  }
0x84: {  	_ =	swait.ge [sflag:s30], $0x4000  }
0x85: {  	s0 =	rddreg [dreg:$0x4];
	[sflag:s30] =	ssyncset.done $0x0  }
0x86: {  	s10 =	simm.s32 @!p0 $0x1C03;
	s4 =	rddreg [dreg:$0x9];
	[sflag:s30] =	ssyncadd.s32 $0xFFFFC000  }
0x87: {  	[spmem:s4], [sflag:s10] =	dma.local @!p0 [hbm:s0], $0x40  }
0x88: {  	_ =	swait.ge @!p0 [sflag:s5], $0x40  }
0x89: {  	[sflag:s5] =	ssyncset.done @!p0 $0x0  }
0x8a: {  	s11 =	rddreg [dreg:$0x5];
	[sflag:s5] =	ssyncadd.s32 @!p0 $0xFFFFFFC0  }
0x8b: {  	[tilespmem:s2], [sflag:$0x3] =	stream.linear.gather [hbm4b:s11+s2], $0x800, $0x38;
	[tilespmem:$0x10820] =	vst v63  }
0x8c: {  	_ =	swait.ge [sflag:s6], $0x800  }
0x8d: {  	[sflag:s6] =	ssyncset.done $0x0  }
0x8e: {  	[sflag:s6] =	ssyncadd.s32 $0xFFFFF800  }
0x8f: {  	[bflag:$0x0] =	sbarrier.arrive $0xFFFF  }
0x90: {  	s0 =	rddreg [dreg:$0x13]  }
0x91: {  	[tilespmem:s8], [sflag:$0x1] =	stream.indirect.gather [spmem:s1], $0x20, s2, s7, $0xb8;
	[tilespmem:$0x10820] =	vst v63  }
0x92: {  	s4 =	rddreg [dreg:$0xb]  }
0x93: {  	s10 =	rddreg [dreg:$0x11]  }
0x94: {  	s11 =	rddreg [dreg:$0xa]  }
0x95: {  	s12 =	rddreg [dreg:$0xc]  }
0x96: {  	[tilespmem:s11], [sflag:$0x1] =	stream.indirect.gather [spmem:s1], $0x20, s7, s7, $0xb8;
	[tilespmem:$0x10820] =	vst v63  }
0x97: {  	s14 =	rddreg [dreg:$0xe]  }
0x98: {  	[tilespmem:s12], [sflag:$0x1] =	stream.indirect.gather [spmem:s1], $0x20, s4, s7, $0xb8;
	[tilespmem:$0x10820] =	vst v63  }
0x99: {  	s11 =	rddreg [dreg:$0xd]  }
0x9a: {  	[tilespmem:s14], [sflag:$0x1] =	stream.indirect.gather [spmem:s1], $0x20, s11, s7, $0xb8;
	[tilespmem:$0x10820] =	vst v63  }
0x9b: {  	s4 =	rddreg [dreg:$0xf]  }
0x9c: {  	[tilespmem:s9], [sflag:$0x1] =	stream.indirect.gather [spmem:s1], $0x20, s4, s7, $0xb8;
	[tilespmem:$0x10820] =	vst v63  }
0x9d: {  	s12 =	rddreg [dreg:$0x10]  }
0x9e: {  	[tilespmem:s10], [sflag:$0x1] =	stream.indirect.gather [spmem:s1], $0x20, s12, s7, $0xb8;
	[tilespmem:$0x10820] =	vst v63  }
0x9f: {  	s14 =	rddreg [dreg:$0x12]  }
0xa0: {  	[tilespmem:s0], [sflag:$0x1] =	stream.indirect.gather [spmem:s1], $0x20, s14, s7, $0xb8;
	[tilespmem:$0x10820] =	vst v63  }
0xa1: {  	s12 =	simm.s32 $0x380;
	s14 =	simm.s32 $0x7800  }
0xa2: {  	[tilespmem:s14], [sflag:$0x1] =	stream.indirect.gather [spmem:s1], $0x20, s12, s7, $0xb8;
	[tilespmem:$0x10820] =	vst v63  }
0xa3: {  	s4 =	simm.s32 $0x400  }
0xa4: {  	[tilespmem:s13], [sflag:$0x1] =	stream.indirect.gather [spmem:s1], $0x20, s4, s7, $0xb8;
	[tilespmem:$0x10820] =	vst v63  }
0xa5: {  	s10 =	simm.s32 $0x480  }
0xa6: {  	[tilespmem:s15], [sflag:$0x1] =	stream.indirect.gather [spmem:s1], $0x20, s10, s7, $0xb8;
	[tilespmem:$0x10820] =	vst v63  }
0xa7: {  	_ = 	snop  }
0xa8: {  	[tilespmem:s17], [sflag:$0x1] =	stream.indirect.gather [spmem:s1], $0x20, s16, s7, $0xb8;
	[tilespmem:$0x10820] =	vst v63  }
0xa9: {  	_ = 	snop  }
0xaa: {  	[tilespmem:s19], [sflag:$0x1] =	stream.indirect.gather [spmem:s1], $0x20, s18, s7, $0xb8;
	[tilespmem:$0x10820] =	vst v63  }
0xab: {  	_ = 	snop  }
0xac: {  	[tilespmem:s21], [sflag:$0x1] =	stream.indirect.gather [spmem:s1], $0x20, s20, s7, $0xb8;
	[tilespmem:$0x10820] =	vst v63  }
0xad: {  	_ = 	snop  }
0xae: {  	[tilespmem:s23], [sflag:$0x1] =	stream.indirect.gather [spmem:s1], $0x20, s22, s7, $0xb8;
	[tilespmem:$0x10820] =	vst v63  }
0xaf: {  	_ = 	snop  }
0xb0: {  	[tilespmem:s25], [sflag:$0x1] =	stream.indirect.gather [spmem:s1], $0x20, s24, s7, $0xb8;
	[tilespmem:$0x10820] =	vst v63  }
0xb1: {  	_ = 	snop  }
0xb2: {  	[tilespmem:s28], [sflag:$0x1] =	stream.indirect.gather [spmem:s1], $0x20, s26, s7, $0xb8;
	[tilespmem:$0x10820] =	vst v63  }
0xb3: {  	_ =	swait.ge [sflag:s29], $0x1000  }
0xb4: {  	[sflag:s29] =	ssyncset.done $0x0  }
0xb5: {  	[sflag:s29] =	ssyncadd.s32 $0xFFFFF000  }
0xb6: {  	_ =	swait.ge [sflag:s29], $0x1000  }
0xb7: {  	[sflag:s29] =	ssyncset.done $0x0  }
0xb8: {  	[sflag:s29] =	ssyncadd.s32 $0xFFFFF000  }
0xb9: {  	_ =	swait.ge [sflag:s29], $0x1000  }
0xba: {  	[sflag:s29] =	ssyncset.done $0x0  }
0xbb: {  	[sflag:s29] =	ssyncadd.s32 $0xFFFFF000  }
0xbc: {  	_ =	swait.ge [sflag:s29], $0x1000  }
0xbd: {  	[sflag:s29] =	ssyncset.done $0x0  }
0xbe: {  	[sflag:s29] =	ssyncadd.s32 $0xFFFFF000  }
0xbf: {  	[hbm4b:s3+s2] =	stream.linear.scatter [tilespmem:s8], [sflag:$0x2], $0x4000, $0x38;
	[tilespmem:$0x10820] =	vst v63  }
0xc0: {  	_ =	swait.ge [sflag:s29], $0x1000  }
0xc1: {  	[sflag:s29] =	ssyncset.done $0x0  }
0xc2: {  	[sflag:s29] =	ssyncadd.s32 $0xFFFFF000  }
0xc3: {  	_ =	swait.ge [sflag:s29], $0x1000  }
0xc4: {  	[sflag:s29] =	ssyncset.done $0x0  }
0xc5: {  	[sflag:s29] =	ssyncadd.s32 $0xFFFFF000  }
0xc6: {  	_ =	swait.ge [sflag:s29], $0x1000  }
0xc7: {  	[sflag:s29] =	ssyncset.done $0x0  }
0xc8: {  	[sflag:s29] =	ssyncadd.s32 $0xFFFFF000  }
0xc9: {  	_ =	swait.ge [sflag:s29], $0x1000  }
0xca: {  	[sflag:s29] =	ssyncset.done $0x0  }
0xcb: {  	s11 =	rddreg [dreg:$0x6];
	[sflag:s29] =	ssyncadd.s32 $0xFFFFF000  }
0xcc: {  	[hbm4b:s11+s2] =	stream.linear.scatter [tilespmem:s9], [sflag:$0x2], $0x4000, $0x38;
	[tilespmem:$0x10820] =	vst v63  }
0xcd: {  	_ =	swait.ge [sflag:s29], $0x1000  }
0xce: {  	[sflag:s29] =	ssyncset.done $0x0  }
0xcf: {  	[sflag:s29] =	ssyncadd.s32 $0xFFFFF000  }
0xd0: {  	_ =	swait.ge [sflag:s29], $0x1000  }
0xd1: {  	[sflag:s29] =	ssyncset.done $0x0  }
0xd2: {  	[sflag:s29] =	ssyncadd.s32 $0xFFFFF000  }
0xd3: {  	_ =	swait.ge [sflag:s29], $0x1000  }
0xd4: {  	[sflag:s29] =	ssyncset.done $0x0  }
0xd5: {  	[sflag:s29] =	ssyncadd.s32 $0xFFFFF000  }
0xd6: {  	_ =	swait.ge [sflag:s29], $0x1000  }
0xd7: {  	[sflag:s29] =	ssyncset.done $0x0  }
0xd8: {  	s12 =	rddreg [dreg:$0x7];
	[sflag:s29] =	ssyncadd.s32 $0xFFFFF000  }
0xd9: {  	[hbm4b:s12+s2] =	stream.linear.scatter [tilespmem:s13], [sflag:$0x2], $0x4000, $0x38;
	[tilespmem:$0x10820] =	vst v63  }
0xda: {  	_ =	swait.ge [sflag:s29], $0x1000  }
0xdb: {  	[sflag:s29] =	ssyncset.done $0x0  }
0xdc: {  	[sflag:s29] =	ssyncadd.s32 $0xFFFFF000  }
0xdd: {  	_ =	swait.ge [sflag:s29], $0x1000  }
0xde: {  	[sflag:s29] =	ssyncset.done $0x0  }
0xdf: {  	[sflag:s29] =	ssyncadd.s32 $0xFFFFF000  }
0xe0: {  	_ =	swait.ge [sflag:s29], $0x1000  }
0xe1: {  	[sflag:s29] =	ssyncset.done $0x0  }
0xe2: {  	[sflag:s29] =	ssyncadd.s32 $0xFFFFF000  }
0xe3: {  	s31 =	sadd.s32 $0xFFFFFFFF, s31;
	_ =	swait.ge [sflag:s29], $0x1000  }
0xe4: {  	p1 =	sne.s32 s31, $0x0;
	[sflag:s29] =	ssyncset.done $0x0  }
.Ltmp1:
0xe5: {  	s14 =	rddreg [dreg:$0x8];
	[sflag:s29] =	ssyncadd.s32 $0xFFFFF000;
	(pc) =	sbr.rel @p1 .LBB2_1-.Ltmp1, $4  }
0xe6: {  	[hbm4b:s14+s2] =	stream.linear.scatter [tilespmem:s21], [sflag:$0x2], $0x4000, $0x38;
	[tilespmem:$0x10820] =	vst v63  }
0xe7: {  	_ =	swait.ge [sflag:s30], $0x4000  }
0xe8: {  	[sflag:s30] =	ssyncset.done $0x0  }
0xe9: {  	[sflag:s30] =	ssyncadd.s32 $0xFFFFC000  }
.LBB2_2:
0xea: {  	_ =	swait.ge [sflag:s30], $0x4000  }
0xeb: {  	[sflag:s30] =	ssyncset.done $0x0  }
0xec: {  	[sflag:s30] =	ssyncadd.s32 $0xFFFFC000  }
0xed: {  	_ =	swait.ge [sflag:s30], $0x4000  }
0xee: {  	[sflag:s30] =	ssyncset.done $0x0  }
0xef: {  	[sflag:s30] =	ssyncadd.s32 $0xFFFFC000  }
0xf0: {  	_ =	swait.ge [sflag:s30], $0x4000  }
0xf1: {  	[sflag:s30] =	ssyncset.done $0x0  }
0xf2: {  	[sflag:s30] =	ssyncadd.s32 $0xFFFFC000  }
0xf3: {  	_ =	sfence.sel $0x180000  }
0xf4: {  	[bflag:$0x0] =	sbarrier.arrive $0xFFFF  }
0xf5: {  	_ =	strace $0x90000047  }
0xf6: {  	[bflag:$0x2] =	sbarrier.arrive $0xFFFF  }
0xf7: {  	s0 =	rddreg [dreg:$0x3]  }
0xf8: {  	s0 =	sadd.s32 @!p0 $0x100000, s0  }
0xf9: {  	[sflag:s0] =	ssyncadd.tile.s32 @!p0 $0x1;
	_ =	shalt  }
.Lfunc_end2:
_tile_overlayer_lowered:
.L_overlay_start_2:
0xfa: {  	(tag) =	ssettag $0x2  }
0xfb: {  	s0 =	rddreg [dreg:$0x0];
	s2 =	stileid.u32  }
0xfc: {  	s1 =	rddreg [dreg:$0x1];
	p0 =	sne.s32 s2, $0x0  }
0xfd: {  	s3 =	rddreg [dreg:$0x2];
	[bflag:$0x3] =	sbarrier.arrive $0xFFFF;
	s2 =	simm.s32 @!p0 $0x1C03  }
0xfe: {  	[timem:s3], [sflag:s2] =	dma.local @!p0 [hbm:s0], s1  }
0xff: {  	s0 =	simm.s32 @!p0 $0x3  }
0x100: {  	_ =	swait.ge @!p0 [sflag:s0], s1  }
0x101: {  	s1 =	ssub.s32 @!p0 $0x0, s1;
	[sflag:s0] =	ssyncset.done @!p0 $0x0  }
0x102: {  	[sflag:s0] =	ssyncadd.s32 @!p0 s1  }
0x103: {  	[bflag:$0x3] =	sbarrier.arrive $0xFFFF  }
0x104: {  	_ =	shalt  }

</sc_bundles>
